<compile_context>
chip_gen: v7x
topology: tpu7x:2x2x1
jax: 0.10.2.dev20260603
libtpu: 0.0.44.dev20260713+nightly
codegen_flags: <defaults>
</compile_context>

<pallas_src>
import functools

import jax
import jax.numpy as jnp
from jax import lax
from jax.experimental import pallas as pl
from jax.experimental.pallas import tpu as pltpu
from jax.experimental.pallas import tpu_sc as plsc

B = 4
C = 512
RAW = 10242
NEW = RAW * 4 - 6
DOWN = NEW - RAW
ROWS = B * C
L = 16

NUM_WORKERS = 32
ROWS_PER_WORKER = ROWS // NUM_WORKERS
CHALF = C // 2

TOP_ITERS = RAW // L
TOP_LAST = RAW - L
DOWN_ITERS = DOWN // L

TOP_BLOCKS = -(-RAW // (2 * L))
DOWN_BLOCKS = DOWN // (2 * L)


def _row_ids(half, t16, k):
    u = t16 * ROWS_PER_WORKER + k
    b = u // CHALF
    c_local = u % CHALF
    rout = b * C + half * CHALF + c_local
    rp0 = b * C + 2 * c_local
    return rout, rp0


def _upsample_body(x_hbm, top_hbm, d_hbm, out_hbm,
                   top_v, d_v, self_v, a_v, b_v, m_v, out_v,
                   sem_self, sem_ab, sem_out):
    cid = lax.axis_index("c")
    sid = lax.axis_index("s")
    wid = sid * 2 + cid
    half = wid // 16
    t16 = wid % 16

    def issue_self(k):
        rout, _ = _row_ids(half, t16, k)
        pltpu.async_copy(x_hbm.at[rout], self_v, sem_self)

    def issue_ab(k):
        _, rp0 = _row_ids(half, t16, k)
        pltpu.async_copy(x_hbm.at[rp0], a_v, sem_ab)
        pltpu.async_copy(x_hbm.at[rp0 + 1], b_v, sem_ab)

    def wait_self():
        pltpu.make_async_copy(x_hbm.at[0], self_v, sem_self).wait()

    def wait_ab():
        pltpu.make_async_copy(x_hbm.at[0], a_v, sem_ab).wait()
        pltpu.make_async_copy(x_hbm.at[0], b_v, sem_ab).wait()

    def drain_out():
        pltpu.make_async_copy(out_hbm.at[0], out_v, sem_out).wait()

    pltpu.sync_copy(top_hbm, top_v)
    pltpu.sync_copy(d_hbm.at[half], d_v)
    issue_self(0)
    issue_ab(0)

    def do_row(k, carry):
        rout, _ = _row_ids(half, t16, k)
        knext = jnp.minimum(k + 1, ROWS_PER_WORKER - 1)
        wait_ab()

        @plsc.parallel_loop(0, TOP_ITERS * L, L, unroll=8)
        def mean_it(off):
            m_v[pl.ds(off, L)] = (a_v[pl.ds(off, L)] + b_v[pl.ds(off, L)]) * 0.5

        m_v[pl.ds(TOP_LAST, L)] = (
            a_v[pl.ds(TOP_LAST, L)] + b_v[pl.ds(TOP_LAST, L)]) * 0.5

        issue_ab(knext)
        wait_self()

        @pl.when(k > 0)
        def _():
            drain_out()

        @plsc.parallel_loop(0, TOP_BLOCKS * L, L, unroll=8)
        def top_it(w):
            word = top_v[pl.ds(w, L)]
            lo = word & 0xFFFF
            hi = word >> 16
            out_v[pl.ds(w * 2, L)] = plsc.load_gather(self_v, [lo])
            out_v[pl.ds(w * 2 + L, L)] = plsc.load_gather(self_v, [hi])

        issue_self(knext)

        @plsc.parallel_loop(0, DOWN_BLOCKS * L, L, unroll=16)
        def down_it(w):
            word = d_v[pl.ds(w, L)]
            lo = word & 0xFFFF
            hi = word >> 16
            out_v[pl.ds(RAW + w * 2, L)] = plsc.load_gather(m_v, [lo])
            out_v[pl.ds(RAW + w * 2 + L, L)] = plsc.load_gather(m_v, [hi])

        pltpu.async_copy(out_v, out_hbm.at[rout], sem_out)
        return carry

    lax.fori_loop(0, ROWS_PER_WORKER, do_row, 0)
    drain_out()
    wait_self()
    wait_ab()


@jax.jit
def _upsample(x2d, top_src, d2):
    mesh = plsc.VectorSubcoreMesh(core_axis_name="c", subcore_axis_name="s")
    run = functools.partial(
        pl.kernel,
        mesh=mesh,
        compiler_params=pltpu.CompilerParams(needs_layout_passes=False),
        out_type=jax.ShapeDtypeStruct((ROWS, NEW), jnp.float32),
        scratch_types=[
            pltpu.VMEM((TOP_BLOCKS * L,), jnp.int32),
            pltpu.VMEM((DOWN_BLOCKS * L,), jnp.int32),
            pltpu.VMEM((RAW,), jnp.float32),
            pltpu.VMEM((RAW,), jnp.float32),
            pltpu.VMEM((RAW,), jnp.float32),
            pltpu.VMEM((RAW,), jnp.float32),
            pltpu.VMEM((NEW,), jnp.float32),
            pltpu.SemaphoreType.DMA,
            pltpu.SemaphoreType.DMA,
            pltpu.SemaphoreType.DMA,
        ],
    )(_upsample_body)
    return run(x2d, top_src, d2)


def _pack_pairs(idx):
    t = idx.reshape(-1, 2, L)
    return (t[:, 0] | (t[:, 1] << 16)).reshape(-1)


def kernel(x, upconv_top_index, upconv_down_index):
    x2d = x.reshape(ROWS, RAW)
    top_src = (upconv_top_index // 7).astype(jnp.int32)
    top_p = _pack_pairs(jnp.pad(top_src, (0, TOP_BLOCKS * 2 * L - RAW)))
    d = upconv_down_index.reshape(-1, 2)
    d0 = (d[:, 0] // 7).astype(jnp.int32)
    d1 = (d[:, 1] // 7).astype(jnp.int32)
    d2 = jnp.stack([_pack_pairs(d0), _pack_pairs(d1)])
    out = _upsample(x2d, top_p, d2)
    return out.reshape(B, C, NEW)

# --- scband reference (transcript-rebuilt; emitter-appended) ---
"""Pipeline reference for scband-up-layer-norm-50543175139551 (READ-ONLY COPY).

The authoritative reference and input builder live on the scoring server;
editing this copy changes nothing except your own understanding.
"""

import jax, jax.numpy as jnp
import numpy as np


def setup_inputs(seed: int = 0) -> dict:
    key = jax.random.key(seed)
    k1, k2, k3 = jax.random.split(key, 3)
    raw_nodes = 10242
    out_feats = 512
    batch = 4
    new_nodes = raw_nodes * 4 - 6
    x = jax.random.normal(k1, (batch, out_feats, raw_nodes), dtype=jnp.float32)
    upconv_top_index = jax.random.randint(k2, (raw_nodes,), 0, raw_nodes * 7, dtype=jnp.int64 if jax.config.jax_enable_x64 else jnp.int32)
    upconv_down_index = jax.random.randint(k3, ((new_nodes - raw_nodes) * 2,), 0, raw_nodes * 7, dtype=jnp.int64 if jax.config.jax_enable_x64 else jnp.int32)
    return {"x": x, "upconv_top_index": upconv_top_index, "upconv_down_index": upconv_down_index}


def reference(x, upconv_top_index, upconv_down_index):
    out_feats = 512
    x = jnp.transpose(x, (0, 2, 1))  # [B, N, C]
    batch, raw_nodes, channel = x.shape
    new_nodes = int(raw_nodes * 4 - 6)
    x = jnp.concatenate([x, x, x, x, x, x, x], axis=2)  # [B, N, 7C]
    x = x.reshape(batch, raw_nodes * 7, out_feats)
    x1 = x[:, upconv_top_index, :]
    assert x1.shape == (batch, raw_nodes, out_feats)
    x2 = x[:, upconv_down_index, :].reshape(batch, -1, out_feats, 2)
    x = jnp.concatenate((x1, jnp.mean(x2, axis=3)), axis=1)
    assert x.shape == (batch, new_nodes, out_feats)
    x = jnp.transpose(x, (0, 2, 1))  # [B, C, new_nodes]
    return x

if __name__ == "__main__":
    import jax
    _d = setup_inputs()
    print(jax.jit(kernel)(*tuple(_d.values())))

</pallas_src>

<mosaic_0001>
#map = affine_map<(d0, d1) -> (0, 0)>
#map1 = affine_map<(d0, d1) -> (0)>
module attributes {stable_mosaic.version = 14 : i64} {
  func.func @_upsample_body(%arg0: i32, %arg1: i32, %arg2: memref<2048x10242xf32, #tpu.memory_space<hbm>>, %arg3: memref<5136xi32, #tpu.memory_space<hbm>>, %arg4: memref<2x15360xi32, #tpu.memory_space<hbm>>, %arg5: memref<2048x40962xf32, #tpu.memory_space<hbm>>, %arg6: memref<5136xi32, #tpu.memory_space<vmem>>, %arg7: memref<15360xi32, #tpu.memory_space<vmem>>, %arg8: memref<10242xf32, #tpu.memory_space<vmem>>, %arg9: memref<10242xf32, #tpu.memory_space<vmem>>, %arg10: memref<10242xf32, #tpu.memory_space<vmem>>, %arg11: memref<10242xf32, #tpu.memory_space<vmem>>, %arg12: memref<40962xf32, #tpu.memory_space<vmem>>, %arg13: memref<!tpu.dma_semaphore, #tpu.memory_space<semaphore_mem>>, %arg14: memref<!tpu.dma_semaphore, #tpu.memory_space<semaphore_mem>>, %arg15: memref<!tpu.dma_semaphore, #tpu.memory_space<semaphore_mem>>) attributes {dimension_semantics = [#tpu.dimension_semantics<core_parallel>, #tpu.dimension_semantics<subcore_parallel>], iteration_bounds = array<i64: 2, 16>, scalar_prefetch = 0 : i64, scratch_operands = 10 : i64, tpu.core_type = #tpu.core_type<sc_vector_subcore>, window_params = [{transform_indices = #map}, {transform_indices = #map1}, {transform_indices = #map}, {transform_indices = #map}]} {
    %mul3A = arith.constant 2 : i32
    %mul3A_0 = arith.muli %arg1, %mul3A : i32
    %add3A = arith.addi %mul3A_0, %arg0 : i32
    %jit3A = arith.constant 16 : i32
    %div3A = arith.divsi %add3A, %jit3A : i32
    %sign3A = arith.constant 0 : i32
    %sign3A_1 = arith.cmpi sgt, %add3A, %sign3A : i32
    %sign3A_2 = arith.extui %sign3A_1 : i1 to i32
    %sign3A_3 = arith.constant 0 : i32
    %sign3A_4 = arith.cmpi slt, %add3A, %sign3A_3 : i32
    %sign3A_5 = arith.extui %sign3A_4 : i1 to i32
    %sign3A_6 = arith.subi %sign3A_2, %sign3A_5 : i32
    %sign3A_7 = arith.constant 0 : i32
    %sign3A_8 = arith.cmpi sgt, %jit3A, %sign3A_7 : i32
    %sign3A_9 = arith.extui %sign3A_8 : i1 to i32
    %sign3A_10 = arith.constant 0 : i32
    %sign3A_11 = arith.cmpi slt, %jit3A, %sign3A_10 : i32
    %sign3A_12 = arith.extui %sign3A_11 : i1 to i32
    %sign3A_13 = arith.subi %sign3A_9, %sign3A_12 : i32
    %ne3A = arith.cmpi ne, %sign3A_6, %sign3A_13 : i32
    %rem3A = arith.remsi %add3A, %jit3A : i32
    %ne3A_14 = arith.constant 0 : i32
    %ne3A_15 = arith.cmpi ne, %rem3A, %ne3A_14 : i32
    %and3A = arith.andi %ne3A, %ne3A_15 : i1
    %sub3A = arith.constant 1 : i32
    %sub3A_16 = arith.subi %div3A, %sub3A : i32
    %select_n3A = arith.select %and3A, %sub3A_16, %div3A : i32
    %jit3A_17 = arith.constant 16 : i32
    %eq3A = arith.constant 0 : i32
    %eq3A_18 = arith.cmpi eq, %jit3A_17, %eq3A : i32
    %jit3A_19 = arith.constant 1 : i32
    %select_n3A_20 = arith.select %eq3A_18, %jit3A_19, %jit3A_17 : i32
    %rem3A_21 = arith.remsi %add3A, %select_n3A_20 : i32
    %ne3A_22 = arith.constant 0 : i32
    %ne3A_23 = arith.cmpi ne, %rem3A_21, %ne3A_22 : i32
    %lt3A = arith.constant 0 : i32
    %lt3A_24 = arith.cmpi slt, %rem3A_21, %lt3A : i32
    %lt3A_25 = arith.constant 0 : i32
    %lt3A_26 = arith.cmpi slt, %select_n3A_20, %lt3A_25 : i32
    %ne3A_27 = arith.xori %lt3A_24, %lt3A_26 : i1
    %and3A_28 = arith.andi %ne3A_27, %ne3A_23 : i1
    %add3A_29 = arith.addi %rem3A_21, %select_n3A_20 : i32
    %select_n3A_30 = arith.select %and3A_28, %add3A_29, %rem3A_21 : i32
    "tpu.region"() ({
      %run_scoped3A = tpu.sem_alloc : memref<!tpu.dma_semaphore, #tpu.memory_space<semaphore_mem>>
      tpu.enqueue_dma source(%arg3 : memref<5136xi32, #tpu.memory_space<hbm>>) target(%arg6 : memref<5136xi32, #tpu.memory_space<vmem>>) target_semaphore(%run_scoped3A : memref<!tpu.dma_semaphore, #tpu.memory_space<semaphore_mem>>)
      tpu.wait_dma2 semaphore(%run_scoped3A : memref<!tpu.dma_semaphore, #tpu.memory_space<semaphore_mem>>) src(%arg3 : memref<5136xi32, #tpu.memory_space<hbm>>) dst(%arg6 : memref<5136xi32, #tpu.memory_space<vmem>>)
      tpu.yield
    }) : () -> ()
    "tpu.region"() ({
      %run_scoped3A = tpu.sem_alloc : memref<!tpu.dma_semaphore, #tpu.memory_space<semaphore_mem>>
      %dma_start3A_192 = arith.constant 0 : i32
      %dma_start3A_193 = tpu.memref_slice %arg4[%select_n3A, %dma_start3A_192] : memref<2x15360xi32, #tpu.memory_space<hbm>> -> memref<1x15360xi32, #tpu.memory_space<hbm>>
      %dma_start3A_194 = tpu.memref_squeeze %dma_start3A_193 : memref<1x15360xi32, #tpu.memory_space<hbm>> -> memref<15360xi32, #tpu.memory_space<hbm>>
      %dma_start3A_195 = arith.constant 0 : i32
      %dma_start3A_196 = tpu.memref_slice %arg4[%select_n3A, %dma_start3A_195] : memref<2x15360xi32, #tpu.memory_space<hbm>> -> memref<1x15360xi32, #tpu.memory_space<hbm>>
      %dma_start3A_197 = tpu.memref_squeeze %dma_start3A_196 : memref<1x15360xi32, #tpu.memory_space<hbm>> -> memref<15360xi32, #tpu.memory_space<hbm>>
      tpu.enqueue_dma source(%dma_start3A_197 : memref<15360xi32, #tpu.memory_space<hbm>>) target(%arg7 : memref<15360xi32, #tpu.memory_space<vmem>>) target_semaphore(%run_scoped3A : memref<!tpu.dma_semaphore, #tpu.memory_space<semaphore_mem>>)
      %dma_wait3A_198 = arith.constant 0 : i32
      %dma_wait3A_199 = tpu.memref_slice %arg4[%select_n3A, %dma_wait3A_198] : memref<2x15360xi32, #tpu.memory_space<hbm>> -> memref<1x15360xi32, #tpu.memory_space<hbm>>
      %dma_wait3A_200 = tpu.memref_squeeze %dma_wait3A_199 : memref<1x15360xi32, #tpu.memory_space<hbm>> -> memref<15360xi32, #tpu.memory_space<hbm>>
      %dma_wait3A_201 = arith.constant 0 : i32
      %dma_wait3A_202 = tpu.memref_slice %arg4[%select_n3A, %dma_wait3A_201] : memref<2x15360xi32, #tpu.memory_space<hbm>> -> memref<1x15360xi32, #tpu.memory_space<hbm>>
      %dma_wait3A_203 = tpu.memref_squeeze %dma_wait3A_202 : memref<1x15360xi32, #tpu.memory_space<hbm>> -> memref<15360xi32, #tpu.memory_space<hbm>>
      tpu.wait_dma2 semaphore(%run_scoped3A : memref<!tpu.dma_semaphore, #tpu.memory_space<semaphore_mem>>) src(%dma_wait3A_203 : memref<15360xi32, #tpu.memory_space<hbm>>) dst(%arg7 : memref<15360xi32, #tpu.memory_space<vmem>>)
      tpu.yield
    }) : () -> ()
    %mul3A_31 = arith.constant 64 : i32
    %mul3A_32 = arith.muli %select_n3A_30, %mul3A_31 : i32
    %add3A_33 = arith.constant 0 : i32
    %add3A_34 = arith.addi %mul3A_32, %add3A_33 : i32
    %jit3A_35 = arith.constant 256 : i32
    %div3A_36 = arith.divsi %add3A_34, %jit3A_35 : i32
    %sign3A_37 = arith.constant 0 : i32
    %sign3A_38 = arith.cmpi sgt, %add3A_34, %sign3A_37 : i32
    %sign3A_39 = arith.extui %sign3A_38 : i1 to i32
    %sign3A_40 = arith.constant 0 : i32
    %sign3A_41 = arith.cmpi slt, %add3A_34, %sign3A_40 : i32
    %sign3A_42 = arith.extui %sign3A_41 : i1 to i32
    %sign3A_43 = arith.subi %sign3A_39, %sign3A_42 : i32
    %sign3A_44 = arith.constant 0 : i32
    %sign3A_45 = arith.cmpi sgt, %jit3A_35, %sign3A_44 : i32
    %sign3A_46 = arith.extui %sign3A_45 : i1 to i32
    %sign3A_47 = arith.constant 0 : i32
    %sign3A_48 = arith.cmpi slt, %jit3A_35, %sign3A_47 : i32
    %sign3A_49 = arith.extui %sign3A_48 : i1 to i32
    %sign3A_50 = arith.subi %sign3A_46, %sign3A_49 : i32
    %ne3A_51 = arith.cmpi ne, %sign3A_43, %sign3A_50 : i32
    %rem3A_52 = arith.remsi %add3A_34, %jit3A_35 : i32
    %ne3A_53 = arith.constant 0 : i32
    %ne3A_54 = arith.cmpi ne, %rem3A_52, %ne3A_53 : i32
    %and3A_55 = arith.andi %ne3A_51, %ne3A_54 : i1
    %sub3A_56 = arith.constant 1 : i32
    %sub3A_57 = arith.subi %div3A_36, %sub3A_56 : i32
    %select_n3A_58 = arith.select %and3A_55, %sub3A_57, %div3A_36 : i32
    %jit3A_59 = arith.constant 256 : i32
    %eq3A_60 = arith.constant 0 : i32
    %eq3A_61 = arith.cmpi eq, %jit3A_59, %eq3A_60 : i32
    %jit3A_62 = arith.constant 1 : i32
    %select_n3A_63 = arith.select %eq3A_61, %jit3A_62, %jit3A_59 : i32
    %rem3A_64 = arith.remsi %add3A_34, %select_n3A_63 : i32
    %ne3A_65 = arith.constant 0 : i32
    %ne3A_66 = arith.cmpi ne, %rem3A_64, %ne3A_65 : i32
    %lt3A_67 = arith.constant 0 : i32
    %lt3A_68 = arith.cmpi slt, %rem3A_64, %lt3A_67 : i32
    %lt3A_69 = arith.constant 0 : i32
    %lt3A_70 = arith.cmpi slt, %select_n3A_63, %lt3A_69 : i32
    %ne3A_71 = arith.xori %lt3A_68, %lt3A_70 : i1
    %and3A_72 = arith.andi %ne3A_71, %ne3A_66 : i1
    %add3A_73 = arith.addi %rem3A_64, %select_n3A_63 : i32
    %select_n3A_74 = arith.select %and3A_72, %add3A_73, %rem3A_64 : i32
    %mul3A_75 = arith.constant 512 : i32
    %mul3A_76 = arith.muli %select_n3A_58, %mul3A_75 : i32
    %mul3A_77 = arith.constant 256 : i32
    %mul3A_78 = arith.muli %select_n3A, %mul3A_77 : i32
    %add3A_79 = arith.addi %mul3A_76, %mul3A_78 : i32
    %add3A_80 = arith.addi %add3A_79, %select_n3A_74 : i32
    %mul3A_81 = arith.constant 512 : i32
    %mul3A_82 = arith.muli %select_n3A_58, %mul3A_81 : i32
    %mul3A_83 = arith.constant 2 : i32
    %mul3A_84 = arith.muli %mul3A_83, %select_n3A_74 : i32
    %add3A_85 = arith.addi %mul3A_82, %mul3A_84 : i32
    %dma_start3A = arith.constant 0 : i32
    %dma_start3A_86 = tpu.memref_slice %arg2[%add3A_80, %dma_start3A] : memref<2048x10242xf32, #tpu.memory_space<hbm>> -> memref<1x10242xf32, #tpu.memory_space<hbm>>
    %dma_start3A_87 = tpu.memref_squeeze %dma_start3A_86 : memref<1x10242xf32, #tpu.memory_space<hbm>> -> memref<10242xf32, #tpu.memory_space<hbm>>
    %dma_start3A_88 = arith.constant 0 : i32
    %dma_start3A_89 = tpu.memref_slice %arg2[%add3A_80, %dma_start3A_88] : memref<2048x10242xf32, #tpu.memory_space<hbm>> -> memref<1x10242xf32, #tpu.memory_space<hbm>>
    %dma_start3A_90 = tpu.memref_squeeze %dma_start3A_89 : memref<1x10242xf32, #tpu.memory_space<hbm>> -> memref<10242xf32, #tpu.memory_space<hbm>>
    tpu.enqueue_dma source(%dma_start3A_90 : memref<10242xf32, #tpu.memory_space<hbm>>) target(%arg8 : memref<10242xf32, #tpu.memory_space<vmem>>) target_semaphore(%arg13 : memref<!tpu.dma_semaphore, #tpu.memory_space<semaphore_mem>>)
    %mul3A_91 = arith.constant 64 : i32
    %mul3A_92 = arith.muli %select_n3A_30, %mul3A_91 : i32
    %add3A_93 = arith.constant 0 : i32
    %add3A_94 = arith.addi %mul3A_92, %add3A_93 : i32
    %jit3A_95 = arith.constant 256 : i32
    %div3A_96 = arith.divsi %add3A_94, %jit3A_95 : i32
    %sign3A_97 = arith.constant 0 : i32
    %sign3A_98 = arith.cmpi sgt, %add3A_94, %sign3A_97 : i32
    %sign3A_99 = arith.extui %sign3A_98 : i1 to i32
    %sign3A_100 = arith.constant 0 : i32
    %sign3A_101 = arith.cmpi slt, %add3A_94, %sign3A_100 : i32
    %sign3A_102 = arith.extui %sign3A_101 : i1 to i32
    %sign3A_103 = arith.subi %sign3A_99, %sign3A_102 : i32
    %sign3A_104 = arith.constant 0 : i32
    %sign3A_105 = arith.cmpi sgt, %jit3A_95, %sign3A_104 : i32
    %sign3A_106 = arith.extui %sign3A_105 : i1 to i32
    %sign3A_107 = arith.constant 0 : i32
    %sign3A_108 = arith.cmpi slt, %jit3A_95, %sign3A_107 : i32
    %sign3A_109 = arith.extui %sign3A_108 : i1 to i32
    %sign3A_110 = arith.subi %sign3A_106, %sign3A_109 : i32
    %ne3A_111 = arith.cmpi ne, %sign3A_103, %sign3A_110 : i32
    %rem3A_112 = arith.remsi %add3A_94, %jit3A_95 : i32
    %ne3A_113 = arith.constant 0 : i32
    %ne3A_114 = arith.cmpi ne, %rem3A_112, %ne3A_113 : i32
    %and3A_115 = arith.andi %ne3A_111, %ne3A_114 : i1
    %sub3A_116 = arith.constant 1 : i32
    %sub3A_117 = arith.subi %div3A_96, %sub3A_116 : i32
    %select_n3A_118 = arith.select %and3A_115, %sub3A_117, %div3A_96 : i32
    %jit3A_119 = arith.constant 256 : i32
    %eq3A_120 = arith.constant 0 : i32
    %eq3A_121 = arith.cmpi eq, %jit3A_119, %eq3A_120 : i32
    %jit3A_122 = arith.constant 1 : i32
    %select_n3A_123 = arith.select %eq3A_121, %jit3A_122, %jit3A_119 : i32
    %rem3A_124 = arith.remsi %add3A_94, %select_n3A_123 : i32
    %ne3A_125 = arith.constant 0 : i32
    %ne3A_126 = arith.cmpi ne, %rem3A_124, %ne3A_125 : i32
    %lt3A_127 = arith.constant 0 : i32
    %lt3A_128 = arith.cmpi slt, %rem3A_124, %lt3A_127 : i32
    %lt3A_129 = arith.constant 0 : i32
    %lt3A_130 = arith.cmpi slt, %select_n3A_123, %lt3A_129 : i32
    %ne3A_131 = arith.xori %lt3A_128, %lt3A_130 : i1
    %and3A_132 = arith.andi %ne3A_131, %ne3A_126 : i1
    %add3A_133 = arith.addi %rem3A_124, %select_n3A_123 : i32
    %select_n3A_134 = arith.select %and3A_132, %add3A_133, %rem3A_124 : i32
    %mul3A_135 = arith.constant 512 : i32
    %mul3A_136 = arith.muli %select_n3A_118, %mul3A_135 : i32
    %mul3A_137 = arith.constant 256 : i32
    %mul3A_138 = arith.muli %select_n3A, %mul3A_137 : i32
    %add3A_139 = arith.addi %mul3A_136, %mul3A_138 : i32
    %add3A_140 = arith.addi %add3A_139, %select_n3A_134 : i32
    %mul3A_141 = arith.constant 512 : i32
    %mul3A_142 = arith.muli %select_n3A_118, %mul3A_141 : i32
    %mul3A_143 = arith.constant 2 : i32
    %mul3A_144 = arith.muli %mul3A_143, %select_n3A_134 : i32
    %add3A_145 = arith.addi %mul3A_142, %mul3A_144 : i32
    %dma_start3A_146 = arith.constant 0 : i32
    %dma_start3A_147 = tpu.memref_slice %arg2[%add3A_145, %dma_start3A_146] : memref<2048x10242xf32, #tpu.memory_space<hbm>> -> memref<1x10242xf32, #tpu.memory_space<hbm>>
    %dma_start3A_148 = tpu.memref_squeeze %dma_start3A_147 : memref<1x10242xf32, #tpu.memory_space<hbm>> -> memref<10242xf32, #tpu.memory_space<hbm>>
    %dma_start3A_149 = arith.constant 0 : i32
    %dma_start3A_150 = tpu.memref_slice %arg2[%add3A_145, %dma_start3A_149] : memref<2048x10242xf32, #tpu.memory_space<hbm>> -> memref<1x10242xf32, #tpu.memory_space<hbm>>
    %dma_start3A_151 = tpu.memref_squeeze %dma_start3A_150 : memref<1x10242xf32, #tpu.memory_space<hbm>> -> memref<10242xf32, #tpu.memory_space<hbm>>
    tpu.enqueue_dma source(%dma_start3A_151 : memref<10242xf32, #tpu.memory_space<hbm>>) target(%arg9 : memref<10242xf32, #tpu.memory_space<vmem>>) target_semaphore(%arg14 : memref<!tpu.dma_semaphore, #tpu.memory_space<semaphore_mem>>)
    %add3A_152 = arith.constant 1 : i32
    %add3A_153 = arith.addi %add3A_145, %add3A_152 : i32
    %dma_start3A_154 = arith.constant 0 : i32
    %dma_start3A_155 = tpu.memref_slice %arg2[%add3A_153, %dma_start3A_154] : memref<2048x10242xf32, #tpu.memory_space<hbm>> -> memref<1x10242xf32, #tpu.memory_space<hbm>>
    %dma_start3A_156 = tpu.memref_squeeze %dma_start3A_155 : memref<1x10242xf32, #tpu.memory_space<hbm>> -> memref<10242xf32, #tpu.memory_space<hbm>>
    %dma_start3A_157 = arith.constant 0 : i32
    %dma_start3A_158 = tpu.memref_slice %arg2[%add3A_153, %dma_start3A_157] : memref<2048x10242xf32, #tpu.memory_space<hbm>> -> memref<1x10242xf32, #tpu.memory_space<hbm>>
    %dma_start3A_159 = tpu.memref_squeeze %dma_start3A_158 : memref<1x10242xf32, #tpu.memory_space<hbm>> -> memref<10242xf32, #tpu.memory_space<hbm>>
    tpu.enqueue_dma source(%dma_start3A_159 : memref<10242xf32, #tpu.memory_space<hbm>>) target(%arg10 : memref<10242xf32, #tpu.memory_space<vmem>>) target_semaphore(%arg14 : memref<!tpu.dma_semaphore, #tpu.memory_space<semaphore_mem>>)
    %scan3A = arith.constant 0 : i32
    %scan3A_160 = arith.constant 0 : i32
    %scan3A_161 = arith.constant 64 : i32
    %scan3A_162 = arith.addi %scan3A_160, %scan3A_161 : i32
    %scan3A_163 = arith.constant 1 : i32
    scf.for %scan3A_192 = %scan3A_160 to %scan3A_162 step %scan3A_163  : i32 {
      %mul3A_193 = arith.constant 64 : i32
      %mul3A_194 = arith.muli %select_n3A_30, %mul3A_193 : i32
      %add3A_195 = arith.addi %mul3A_194, %scan3A_192 : i32
      %jit3A_196 = arith.constant 256 : i32
      %div3A_197 = arith.divsi %add3A_195, %jit3A_196 : i32
      %sign3A_198 = arith.constant 0 : i32
      %sign3A_199 = arith.cmpi sgt, %add3A_195, %sign3A_198 : i32
      %sign3A_200 = arith.extui %sign3A_199 : i1 to i32
      %sign3A_201 = arith.constant 0 : i32
      %sign3A_202 = arith.cmpi slt, %add3A_195, %sign3A_201 : i32
      %sign3A_203 = arith.extui %sign3A_202 : i1 to i32
      %sign3A_204 = arith.subi %sign3A_200, %sign3A_203 : i32
      %sign3A_205 = arith.constant 0 : i32
      %sign3A_206 = arith.cmpi sgt, %jit3A_196, %sign3A_205 : i32
      %sign3A_207 = arith.extui %sign3A_206 : i1 to i32
      %sign3A_208 = arith.constant 0 : i32
      %sign3A_209 = arith.cmpi slt, %jit3A_196, %sign3A_208 : i32
      %sign3A_210 = arith.extui %sign3A_209 : i1 to i32
      %sign3A_211 = arith.subi %sign3A_207, %sign3A_210 : i32
      %ne3A_212 = arith.cmpi ne, %sign3A_204, %sign3A_211 : i32
      %rem3A_213 = arith.remsi %add3A_195, %jit3A_196 : i32
      %ne3A_214 = arith.constant 0 : i32
      %ne3A_215 = arith.cmpi ne, %rem3A_213, %ne3A_214 : i32
      %and3A_216 = arith.andi %ne3A_212, %ne3A_215 : i1
      %sub3A_217 = arith.constant 1 : i32
      %sub3A_218 = arith.subi %div3A_197, %sub3A_217 : i32
      %select_n3A_219 = arith.select %and3A_216, %sub3A_218, %div3A_197 : i32
      %jit3A_220 = arith.constant 256 : i32
      %eq3A_221 = arith.constant 0 : i32
      %eq3A_222 = arith.cmpi eq, %jit3A_220, %eq3A_221 : i32
      %jit3A_223 = arith.constant 1 : i32
      %select_n3A_224 = arith.select %eq3A_222, %jit3A_223, %jit3A_220 : i32
      %rem3A_225 = arith.remsi %add3A_195, %select_n3A_224 : i32
      %ne3A_226 = arith.constant 0 : i32
      %ne3A_227 = arith.cmpi ne, %rem3A_225, %ne3A_226 : i32
      %lt3A_228 = arith.constant 0 : i32
      %lt3A_229 = arith.cmpi slt, %rem3A_225, %lt3A_228 : i32
      %lt3A_230 = arith.constant 0 : i32
      %lt3A_231 = arith.cmpi slt, %select_n3A_224, %lt3A_230 : i32
      %ne3A_232 = arith.xori %lt3A_229, %lt3A_231 : i1
      %and3A_233 = arith.andi %ne3A_232, %ne3A_227 : i1
      %add3A_234 = arith.addi %rem3A_225, %select_n3A_224 : i32
      %select_n3A_235 = arith.select %and3A_233, %add3A_234, %rem3A_225 : i32
      %mul3A_236 = arith.constant 512 : i32
      %mul3A_237 = arith.muli %select_n3A_219, %mul3A_236 : i32
      %mul3A_238 = arith.constant 256 : i32
      %mul3A_239 = arith.muli %select_n3A, %mul3A_238 : i32
      %add3A_240 = arith.addi %mul3A_237, %mul3A_239 : i32
      %add3A_241 = arith.addi %add3A_240, %select_n3A_235 : i32
      %mul3A_242 = arith.constant 512 : i32
      %mul3A_243 = arith.muli %select_n3A_219, %mul3A_242 : i32
      %mul3A_244 = arith.constant 2 : i32
      %mul3A_245 = arith.muli %mul3A_244, %select_n3A_235 : i32
      %add3A_246 = arith.addi %mul3A_243, %mul3A_245 : i32
      %add3A_247 = arith.constant 1 : i32
      %add3A_248 = arith.addi %scan3A_192, %add3A_247 : i32
      %min3A = arith.constant 63 : i32
      %min3A_249 = arith.minsi %add3A_248, %min3A : i32
      %dma_wait3A_250 = arith.constant 0 : i32
      %dma_wait3A_251 = arith.constant 0 : i32
      %dma_wait3A_252 = tpu.memref_slice %arg2[%dma_wait3A_250, %dma_wait3A_251] : memref<2048x10242xf32, #tpu.memory_space<hbm>> -> memref<1x10242xf32, #tpu.memory_space<hbm>>
      %dma_wait3A_253 = tpu.memref_squeeze %dma_wait3A_252 : memref<1x10242xf32, #tpu.memory_space<hbm>> -> memref<10242xf32, #tpu.memory_space<hbm>>
      %dma_wait3A_254 = arith.constant 0 : i32
      %dma_wait3A_255 = tpu.memref_slice %arg2[%dma_wait3A_250, %dma_wait3A_254] : memref<2048x10242xf32, #tpu.memory_space<hbm>> -> memref<1x10242xf32, #tpu.memory_space<hbm>>
      %dma_wait3A_256 = tpu.memref_squeeze %dma_wait3A_255 : memref<1x10242xf32, #tpu.memory_space<hbm>> -> memref<10242xf32, #tpu.memory_space<hbm>>
      tpu.wait_dma2 semaphore(%arg14 : memref<!tpu.dma_semaphore, #tpu.memory_space<semaphore_mem>>) src(%dma_wait3A_256 : memref<10242xf32, #tpu.memory_space<hbm>>) dst(%arg9 : memref<10242xf32, #tpu.memory_space<vmem>>)
      %dma_wait3A_257 = arith.constant 0 : i32
      %dma_wait3A_258 = arith.constant 0 : i32
      %dma_wait3A_259 = tpu.memref_slice %arg2[%dma_wait3A_257, %dma_wait3A_258] : memref<2048x10242xf32, #tpu.memory_space<hbm>> -> memref<1x10242xf32, #tpu.memory_space<hbm>>
      %dma_wait3A_260 = tpu.memref_squeeze %dma_wait3A_259 : memref<1x10242xf32, #tpu.memory_space<hbm>> -> memref<10242xf32, #tpu.memory_space<hbm>>
      %dma_wait3A_261 = arith.constant 0 : i32
      %dma_wait3A_262 = tpu.memref_slice %arg2[%dma_wait3A_257, %dma_wait3A_261] : memref<2048x10242xf32, #tpu.memory_space<hbm>> -> memref<1x10242xf32, #tpu.memory_space<hbm>>
      %dma_wait3A_263 = tpu.memref_squeeze %dma_wait3A_262 : memref<1x10242xf32, #tpu.memory_space<hbm>> -> memref<10242xf32, #tpu.memory_space<hbm>>
      tpu.wait_dma2 semaphore(%arg14 : memref<!tpu.dma_semaphore, #tpu.memory_space<semaphore_mem>>) src(%dma_wait3A_263 : memref<10242xf32, #tpu.memory_space<hbm>>) dst(%arg10 : memref<10242xf32, #tpu.memory_space<vmem>>)
      %parallel_loop3A = arith.constant 0 : i32
      %parallel_loop3A_264 = arith.constant 10240 : i32
      %parallel_loop3A_265 = arith.constant 16 : i32
      scf.for %parallel_loop3A_423 = %parallel_loop3A to %parallel_loop3A_264 step %parallel_loop3A_265  : i32 {
        %parallel_loop3A_424 = arith.index_cast %parallel_loop3A_423 : i32 to index
        %parallel_loop3A_425 = tpu.vector_load %arg9[%parallel_loop3A_424] {strides = array<i32>} : memref<10242xf32, #tpu.memory_space<vmem>>, vector<16xf32>,
        %parallel_loop3A_426 = arith.index_cast %parallel_loop3A_423 : i32 to index
        %parallel_loop3A_427 = tpu.vector_load %arg10[%parallel_loop3A_426] {strides = array<i32>} : memref<10242xf32, #tpu.memory_space<vmem>>, vector<16xf32>,
        %parallel_loop3A_428 = arith.addf %parallel_loop3A_425, %parallel_loop3A_427 : vector<16xf32>
        %parallel_loop3A_429 = arith.constant 5.000000e-01 : f32
        %parallel_loop3A_430 = vector.broadcast %parallel_loop3A_429 : f32 to vector<16xf32>
        %parallel_loop3A_431 = arith.mulf %parallel_loop3A_428, %parallel_loop3A_430 : vector<16xf32>
        %parallel_loop3A_432 = arith.index_cast %parallel_loop3A_423 : i32 to index
        %parallel_loop3A_433 = tpu.vector_load %arg11[%parallel_loop3A_432] {strides = array<i32>} : memref<10242xf32, #tpu.memory_space<vmem>>, vector<16xf32>,
        tpu.vector_store %arg11[%parallel_loop3A_432], %parallel_loop3A_431 {strides = array<i32>} : memref<10242xf32, #tpu.memory_space<vmem>>, vector<16xf32>,
      } {sc.loop_unroll_factor = 8 : i64, sc.parallel_access}
      %get3A = arith.constant 10226 : index
      %get3A_266 = tpu.vector_load %arg9[%get3A] {strides = array<i32>} : memref<10242xf32, #tpu.memory_space<vmem>>, vector<16xf32>,
      %get3A_267 = arith.constant 10226 : index
      %get3A_268 = tpu.vector_load %arg10[%get3A_267] {strides = array<i32>} : memref<10242xf32, #tpu.memory_space<vmem>>, vector<16xf32>,
      %add3A_269 = arith.addf %get3A_266, %get3A_268 : vector<16xf32>
      %mul3A_270 = arith.constant 5.000000e-01 : f32
      %mul3A_271 = vector.broadcast %mul3A_270 : f32 to vector<16xf32>
      %mul3A_272 = arith.mulf %add3A_269, %mul3A_271 : vector<16xf32>
      %swap3A = arith.constant 10226 : index
      %swap3A_273 = tpu.vector_load %arg11[%swap3A] {strides = array<i32>} : memref<10242xf32, #tpu.memory_space<vmem>>, vector<16xf32>,
      tpu.vector_store %arg11[%swap3A], %mul3A_272 {strides = array<i32>} : memref<10242xf32, #tpu.memory_space<vmem>>, vector<16xf32>,
      %mul3A_274 = arith.constant 64 : i32
      %mul3A_275 = arith.muli %select_n3A_30, %mul3A_274 : i32
      %add3A_276 = arith.addi %mul3A_275, %min3A_249 : i32
      %jit3A_277 = arith.constant 256 : i32
      %div3A_278 = arith.divsi %add3A_276, %jit3A_277 : i32
      %sign3A_279 = arith.constant 0 : i32
      %sign3A_280 = arith.cmpi sgt, %add3A_276, %sign3A_279 : i32
      %sign3A_281 = arith.extui %sign3A_280 : i1 to i32
      %sign3A_282 = arith.constant 0 : i32
      %sign3A_283 = arith.cmpi slt, %add3A_276, %sign3A_282 : i32
      %sign3A_284 = arith.extui %sign3A_283 : i1 to i32
      %sign3A_285 = arith.subi %sign3A_281, %sign3A_284 : i32
      %sign3A_286 = arith.constant 0 : i32
      %sign3A_287 = arith.cmpi sgt, %jit3A_277, %sign3A_286 : i32
      %sign3A_288 = arith.extui %sign3A_287 : i1 to i32
      %sign3A_289 = arith.constant 0 : i32
      %sign3A_290 = arith.cmpi slt, %jit3A_277, %sign3A_289 : i32
      %sign3A_291 = arith.extui %sign3A_290 : i1 to i32
      %sign3A_292 = arith.subi %sign3A_288, %sign3A_291 : i32
      %ne3A_293 = arith.cmpi ne, %sign3A_285, %sign3A_292 : i32
      %rem3A_294 = arith.remsi %add3A_276, %jit3A_277 : i32
      %ne3A_295 = arith.constant 0 : i32
      %ne3A_296 = arith.cmpi ne, %rem3A_294, %ne3A_295 : i32
      %and3A_297 = arith.andi %ne3A_293, %ne3A_296 : i1
      %sub3A_298 = arith.constant 1 : i32
      %sub3A_299 = arith.subi %div3A_278, %sub3A_298 : i32
      %select_n3A_300 = arith.select %and3A_297, %sub3A_299, %div3A_278 : i32
      %jit3A_301 = arith.constant 256 : i32
      %eq3A_302 = arith.constant 0 : i32
      %eq3A_303 = arith.cmpi eq, %jit3A_301, %eq3A_302 : i32
      %jit3A_304 = arith.constant 1 : i32
      %select_n3A_305 = arith.select %eq3A_303, %jit3A_304, %jit3A_301 : i32
      %rem3A_306 = arith.remsi %add3A_276, %select_n3A_305 : i32
      %ne3A_307 = arith.constant 0 : i32
      %ne3A_308 = arith.cmpi ne, %rem3A_306, %ne3A_307 : i32
      %lt3A_309 = arith.constant 0 : i32
      %lt3A_310 = arith.cmpi slt, %rem3A_306, %lt3A_309 : i32
      %lt3A_311 = arith.constant 0 : i32
      %lt3A_312 = arith.cmpi slt, %select_n3A_305, %lt3A_311 : i32
      %ne3A_313 = arith.xori %lt3A_310, %lt3A_312 : i1
      %and3A_314 = arith.andi %ne3A_313, %ne3A_308 : i1
      %add3A_315 = arith.addi %rem3A_306, %select_n3A_305 : i32
      %select_n3A_316 = arith.select %and3A_314, %add3A_315, %rem3A_306 : i32
      %mul3A_317 = arith.constant 512 : i32
      %mul3A_318 = arith.muli %select_n3A_300, %mul3A_317 : i32
      %mul3A_319 = arith.constant 256 : i32
      %mul3A_320 = arith.muli %select_n3A, %mul3A_319 : i32
      %add3A_321 = arith.addi %mul3A_318, %mul3A_320 : i32
      %add3A_322 = arith.addi %add3A_321, %select_n3A_316 : i32
      %mul3A_323 = arith.constant 512 : i32
      %mul3A_324 = arith.muli %select_n3A_300, %mul3A_323 : i32
      %mul3A_325 = arith.constant 2 : i32
      %mul3A_326 = arith.muli %mul3A_325, %select_n3A_316 : i32
      %add3A_327 = arith.addi %mul3A_324, %mul3A_326 : i32
      %dma_start3A_328 = arith.constant 0 : i32
      %dma_start3A_329 = tpu.memref_slice %arg2[%add3A_327, %dma_start3A_328] : memref<2048x10242xf32, #tpu.memory_space<hbm>> -> memref<1x10242xf32, #tpu.memory_space<hbm>>
      %dma_start3A_330 = tpu.memref_squeeze %dma_start3A_329 : memref<1x10242xf32, #tpu.memory_space<hbm>> -> memref<10242xf32, #tpu.memory_space<hbm>>
      %dma_start3A_331 = arith.constant 0 : i32
      %dma_start3A_332 = tpu.memref_slice %arg2[%add3A_327, %dma_start3A_331] : memref<2048x10242xf32, #tpu.memory_space<hbm>> -> memref<1x10242xf32, #tpu.memory_space<hbm>>
      %dma_start3A_333 = tpu.memref_squeeze %dma_start3A_332 : memref<1x10242xf32, #tpu.memory_space<hbm>> -> memref<10242xf32, #tpu.memory_space<hbm>>
      tpu.enqueue_dma source(%dma_start3A_333 : memref<10242xf32, #tpu.memory_space<hbm>>) target(%arg9 : memref<10242xf32, #tpu.memory_space<vmem>>) target_semaphore(%arg14 : memref<!tpu.dma_semaphore, #tpu.memory_space<semaphore_mem>>)
      %add3A_334 = arith.constant 1 : i32
      %add3A_335 = arith.addi %add3A_327, %add3A_334 : i32
      %dma_start3A_336 = arith.constant 0 : i32
      %dma_start3A_337 = tpu.memref_slice %arg2[%add3A_335, %dma_start3A_336] : memref<2048x10242xf32, #tpu.memory_space<hbm>> -> memref<1x10242xf32, #tpu.memory_space<hbm>>
      %dma_start3A_338 = tpu.memref_squeeze %dma_start3A_337 : memref<1x10242xf32, #tpu.memory_space<hbm>> -> memref<10242xf32, #tpu.memory_space<hbm>>
      %dma_start3A_339 = arith.constant 0 : i32
      %dma_start3A_340 = tpu.memref_slice %arg2[%add3A_335, %dma_start3A_339] : memref<2048x10242xf32, #tpu.memory_space<hbm>> -> memref<1x10242xf32, #tpu.memory_space<hbm>>
      %dma_start3A_341 = tpu.memref_squeeze %dma_start3A_340 : memref<1x10242xf32, #tpu.memory_space<hbm>> -> memref<10242xf32, #tpu.memory_space<hbm>>
      tpu.enqueue_dma source(%dma_start3A_341 : memref<10242xf32, #tpu.memory_space<hbm>>) target(%arg10 : memref<10242xf32, #tpu.memory_space<vmem>>) target_semaphore(%arg14 : memref<!tpu.dma_semaphore, #tpu.memory_space<semaphore_mem>>)
      %dma_wait3A_342 = arith.constant 0 : i32
      %dma_wait3A_343 = arith.constant 0 : i32
      %dma_wait3A_344 = tpu.memref_slice %arg2[%dma_wait3A_342, %dma_wait3A_343] : memref<2048x10242xf32, #tpu.memory_space<hbm>> -> memref<1x10242xf32, #tpu.memory_space<hbm>>
      %dma_wait3A_345 = tpu.memref_squeeze %dma_wait3A_344 : memref<1x10242xf32, #tpu.memory_space<hbm>> -> memref<10242xf32, #tpu.memory_space<hbm>>
      %dma_wait3A_346 = arith.constant 0 : i32
      %dma_wait3A_347 = tpu.memref_slice %arg2[%dma_wait3A_342, %dma_wait3A_346] : memref<2048x10242xf32, #tpu.memory_space<hbm>> -> memref<1x10242xf32, #tpu.memory_space<hbm>>
      %dma_wait3A_348 = tpu.memref_squeeze %dma_wait3A_347 : memref<1x10242xf32, #tpu.memory_space<hbm>> -> memref<10242xf32, #tpu.memory_space<hbm>>
      tpu.wait_dma2 semaphore(%arg13 : memref<!tpu.dma_semaphore, #tpu.memory_space<semaphore_mem>>) src(%dma_wait3A_348 : memref<10242xf32, #tpu.memory_space<hbm>>) dst(%arg8 : memref<10242xf32, #tpu.memory_space<vmem>>)
      %gt3A = arith.constant 0 : i32
      %gt3A_349 = arith.cmpi sgt, %scan3A_192, %gt3A : i32
      %convert_element_type3A = arith.extui %gt3A_349 : i1 to i32
      %cond3A = arith.constant 0 : i32
      %cond3A_350 = arith.cmpi ne, %convert_element_type3A, %cond3A : i32
      scf.if %cond3A_350 {
        %dma_wait3A_423 = arith.constant 0 : i32
        %dma_wait3A_424 = arith.constant 0 : i32
        %dma_wait3A_425 = tpu.memref_slice %arg5[%dma_wait3A_423, %dma_wait3A_424] : memref<2048x40962xf32, #tpu.memory_space<hbm>> -> memref<1x40962xf32, #tpu.memory_space<hbm>>
        %dma_wait3A_426 = tpu.memref_squeeze %dma_wait3A_425 : memref<1x40962xf32, #tpu.memory_space<hbm>> -> memref<40962xf32, #tpu.memory_space<hbm>>
        %dma_wait3A_427 = arith.constant 0 : i32
        %dma_wait3A_428 = tpu.memref_slice %arg5[%dma_wait3A_423, %dma_wait3A_427] : memref<2048x40962xf32, #tpu.memory_space<hbm>> -> memref<1x40962xf32, #tpu.memory_space<hbm>>
        %dma_wait3A_429 = tpu.memref_squeeze %dma_wait3A_428 : memref<1x40962xf32, #tpu.memory_space<hbm>> -> memref<40962xf32, #tpu.memory_space<hbm>>
        tpu.wait_dma2 semaphore(%arg15 : memref<!tpu.dma_semaphore, #tpu.memory_space<semaphore_mem>>) src(%dma_wait3A_429 : memref<40962xf32, #tpu.memory_space<hbm>>) dst(%arg12 : memref<40962xf32, #tpu.memory_space<vmem>>)
      } else {
      }
      %parallel_loop3A_351 = arith.constant 0 : i32
      %parallel_loop3A_352 = arith.constant 5136 : i32
      %parallel_loop3A_353 = arith.constant 16 : i32
      scf.for %parallel_loop3A_423 = %parallel_loop3A_351 to %parallel_loop3A_352 step %parallel_loop3A_353  : i32 {
        %parallel_loop3A_424 = arith.index_cast %parallel_loop3A_423 : i32 to index
        %parallel_loop3A_425 = tpu.vector_load %arg6[%parallel_loop3A_424] {strides = array<i32>} : memref<5136xi32, #tpu.memory_space<vmem>>, vector<16xi32>,
        %parallel_loop3A_426 = arith.constant 65535 : i32
        %parallel_loop3A_427 = vector.broadcast %parallel_loop3A_426 : i32 to vector<16xi32>
        %parallel_loop3A_428 = arith.andi %parallel_loop3A_425, %parallel_loop3A_427 : vector<16xi32>
        %parallel_loop3A_429 = arith.constant 16 : i32
        %parallel_loop3A_430 = vector.broadcast %parallel_loop3A_429 : i32 to vector<16xi32>
        %parallel_loop3A_431 = arith.shrsi %parallel_loop3A_425, %parallel_loop3A_430 : vector<16xi32>
        %parallel_loop3A_432 = tpu.vector_load_idx %arg8[%parallel_loop3A_428] : memref<10242xf32, #tpu.memory_space<vmem>>[vector<16xi32>], vector<16xf32>,
        %parallel_loop3A_433 = arith.constant 2 : i32
        %parallel_loop3A_434 = arith.muli %parallel_loop3A_423, %parallel_loop3A_433 : i32
        %parallel_loop3A_435 = arith.index_cast %parallel_loop3A_434 : i32 to index
        %parallel_loop3A_436 = tpu.vector_load %arg12[%parallel_loop3A_435] {strides = array<i32>} : memref<40962xf32, #tpu.memory_space<vmem>>, vector<16xf32>,
        tpu.vector_store %arg12[%parallel_loop3A_435], %parallel_loop3A_432 {strides = array<i32>} : memref<40962xf32, #tpu.memory_space<vmem>>, vector<16xf32>,
        %parallel_loop3A_437 = tpu.vector_load_idx %arg8[%parallel_loop3A_431] : memref<10242xf32, #tpu.memory_space<vmem>>[vector<16xi32>], vector<16xf32>,
        %parallel_loop3A_438 = arith.constant 2 : i32
        %parallel_loop3A_439 = arith.muli %parallel_loop3A_423, %parallel_loop3A_438 : i32
        %parallel_loop3A_440 = arith.constant 16 : i32
        %parallel_loop3A_441 = arith.addi %parallel_loop3A_439, %parallel_loop3A_440 : i32
        %parallel_loop3A_442 = arith.index_cast %parallel_loop3A_441 : i32 to index
        %parallel_loop3A_443 = tpu.vector_load %arg12[%parallel_loop3A_442] {strides = array<i32>} : memref<40962xf32, #tpu.memory_space<vmem>>, vector<16xf32>,
        tpu.vector_store %arg12[%parallel_loop3A_442], %parallel_loop3A_437 {strides = array<i32>} : memref<40962xf32, #tpu.memory_space<vmem>>, vector<16xf32>,
      } {sc.loop_unroll_factor = 8 : i64, sc.parallel_access}
      %mul3A_354 = arith.constant 64 : i32
      %mul3A_355 = arith.muli %select_n3A_30, %mul3A_354 : i32
      %add3A_356 = arith.addi %mul3A_355, %min3A_249 : i32
      %jit3A_357 = arith.constant 256 : i32
      %div3A_358 = arith.divsi %add3A_356, %jit3A_357 : i32
      %sign3A_359 = arith.constant 0 : i32
      %sign3A_360 = arith.cmpi sgt, %add3A_356, %sign3A_359 : i32
      %sign3A_361 = arith.extui %sign3A_360 : i1 to i32
      %sign3A_362 = arith.constant 0 : i32
      %sign3A_363 = arith.cmpi slt, %add3A_356, %sign3A_362 : i32
      %sign3A_364 = arith.extui %sign3A_363 : i1 to i32
      %sign3A_365 = arith.subi %sign3A_361, %sign3A_364 : i32
      %sign3A_366 = arith.constant 0 : i32
      %sign3A_367 = arith.cmpi sgt, %jit3A_357, %sign3A_366 : i32
      %sign3A_368 = arith.extui %sign3A_367 : i1 to i32
      %sign3A_369 = arith.constant 0 : i32
      %sign3A_370 = arith.cmpi slt, %jit3A_357, %sign3A_369 : i32
      %sign3A_371 = arith.extui %sign3A_370 : i1 to i32
      %sign3A_372 = arith.subi %sign3A_368, %sign3A_371 : i32
      %ne3A_373 = arith.cmpi ne, %sign3A_365, %sign3A_372 : i32
      %rem3A_374 = arith.remsi %add3A_356, %jit3A_357 : i32
      %ne3A_375 = arith.constant 0 : i32
      %ne3A_376 = arith.cmpi ne, %rem3A_374, %ne3A_375 : i32
      %and3A_377 = arith.andi %ne3A_373, %ne3A_376 : i1
      %sub3A_378 = arith.constant 1 : i32
      %sub3A_379 = arith.subi %div3A_358, %sub3A_378 : i32
      %select_n3A_380 = arith.select %and3A_377, %sub3A_379, %div3A_358 : i32
      %jit3A_381 = arith.constant 256 : i32
      %eq3A_382 = arith.constant 0 : i32
      %eq3A_383 = arith.cmpi eq, %jit3A_381, %eq3A_382 : i32
      %jit3A_384 = arith.constant 1 : i32
      %select_n3A_385 = arith.select %eq3A_383, %jit3A_384, %jit3A_381 : i32
      %rem3A_386 = arith.remsi %add3A_356, %select_n3A_385 : i32
      %ne3A_387 = arith.constant 0 : i32
      %ne3A_388 = arith.cmpi ne, %rem3A_386, %ne3A_387 : i32
      %lt3A_389 = arith.constant 0 : i32
      %lt3A_390 = arith.cmpi slt, %rem3A_386, %lt3A_389 : i32
      %lt3A_391 = arith.constant 0 : i32
      %lt3A_392 = arith.cmpi slt, %select_n3A_385, %lt3A_391 : i32
      %ne3A_393 = arith.xori %lt3A_390, %lt3A_392 : i1
      %and3A_394 = arith.andi %ne3A_393, %ne3A_388 : i1
      %add3A_395 = arith.addi %rem3A_386, %select_n3A_385 : i32
      %select_n3A_396 = arith.select %and3A_394, %add3A_395, %rem3A_386 : i32
      %mul3A_397 = arith.constant 512 : i32
      %mul3A_398 = arith.muli %select_n3A_380, %mul3A_397 : i32
      %mul3A_399 = arith.constant 256 : i32
      %mul3A_400 = arith.muli %select_n3A, %mul3A_399 : i32
      %add3A_401 = arith.addi %mul3A_398, %mul3A_400 : i32
      %add3A_402 = arith.addi %add3A_401, %select_n3A_396 : i32
      %mul3A_403 = arith.constant 512 : i32
      %mul3A_404 = arith.muli %select_n3A_380, %mul3A_403 : i32
      %mul3A_405 = arith.constant 2 : i32
      %mul3A_406 = arith.muli %mul3A_405, %select_n3A_396 : i32
      %add3A_407 = arith.addi %mul3A_404, %mul3A_406 : i32
      %dma_start3A_408 = arith.constant 0 : i32
      %dma_start3A_409 = tpu.memref_slice %arg2[%add3A_402, %dma_start3A_408] : memref<2048x10242xf32, #tpu.memory_space<hbm>> -> memref<1x10242xf32, #tpu.memory_space<hbm>>
      %dma_start3A_410 = tpu.memref_squeeze %dma_start3A_409 : memref<1x10242xf32, #tpu.memory_space<hbm>> -> memref<10242xf32, #tpu.memory_space<hbm>>
      %dma_start3A_411 = arith.constant 0 : i32
      %dma_start3A_412 = tpu.memref_slice %arg2[%add3A_402, %dma_start3A_411] : memref<2048x10242xf32, #tpu.memory_space<hbm>> -> memref<1x10242xf32, #tpu.memory_space<hbm>>
      %dma_start3A_413 = tpu.memref_squeeze %dma_start3A_412 : memref<1x10242xf32, #tpu.memory_space<hbm>> -> memref<10242xf32, #tpu.memory_space<hbm>>
      tpu.enqueue_dma source(%dma_start3A_413 : memref<10242xf32, #tpu.memory_space<hbm>>) target(%arg8 : memref<10242xf32, #tpu.memory_space<vmem>>) target_semaphore(%arg13 : memref<!tpu.dma_semaphore, #tpu.memory_space<semaphore_mem>>)
      %parallel_loop3A_414 = arith.constant 0 : i32
      %parallel_loop3A_415 = arith.constant 15360 : i32
      %parallel_loop3A_416 = arith.constant 16 : i32
      scf.for %parallel_loop3A_423 = %parallel_loop3A_414 to %parallel_loop3A_415 step %parallel_loop3A_416  : i32 {
        %parallel_loop3A_424 = arith.index_cast %parallel_loop3A_423 : i32 to index
        %parallel_loop3A_425 = tpu.vector_load %arg7[%parallel_loop3A_424] {strides = array<i32>} : memref<15360xi32, #tpu.memory_space<vmem>>, vector<16xi32>,
        %parallel_loop3A_426 = arith.constant 65535 : i32
        %parallel_loop3A_427 = vector.broadcast %parallel_loop3A_426 : i32 to vector<16xi32>
        %parallel_loop3A_428 = arith.andi %parallel_loop3A_425, %parallel_loop3A_427 : vector<16xi32>
        %parallel_loop3A_429 = arith.constant 16 : i32
        %parallel_loop3A_430 = vector.broadcast %parallel_loop3A_429 : i32 to vector<16xi32>
        %parallel_loop3A_431 = arith.shrsi %parallel_loop3A_425, %parallel_loop3A_430 : vector<16xi32>
        %parallel_loop3A_432 = tpu.vector_load_idx %arg11[%parallel_loop3A_428] : memref<10242xf32, #tpu.memory_space<vmem>>[vector<16xi32>], vector<16xf32>,
        %parallel_loop3A_433 = arith.constant 2 : i32
        %parallel_loop3A_434 = arith.muli %parallel_loop3A_423, %parallel_loop3A_433 : i32
        %parallel_loop3A_435 = arith.constant 10242 : i32
        %parallel_loop3A_436 = arith.addi %parallel_loop3A_435, %parallel_loop3A_434 : i32
        %parallel_loop3A_437 = arith.index_cast %parallel_loop3A_436 : i32 to index
        %parallel_loop3A_438 = tpu.vector_load %arg12[%parallel_loop3A_437] {strides = array<i32>} : memref<40962xf32, #tpu.memory_space<vmem>>, vector<16xf32>,
        tpu.vector_store %arg12[%parallel_loop3A_437], %parallel_loop3A_432 {strides = array<i32>} : memref<40962xf32, #tpu.memory_space<vmem>>, vector<16xf32>,
        %parallel_loop3A_439 = tpu.vector_load_idx %arg11[%parallel_loop3A_431] : memref<10242xf32, #tpu.memory_space<vmem>>[vector<16xi32>], vector<16xf32>,
        %parallel_loop3A_440 = arith.constant 2 : i32
        %parallel_loop3A_441 = arith.muli %parallel_loop3A_423, %parallel_loop3A_440 : i32
        %parallel_loop3A_442 = arith.constant 10242 : i32
        %parallel_loop3A_443 = arith.addi %parallel_loop3A_442, %parallel_loop3A_441 : i32
        %parallel_loop3A_444 = arith.constant 16 : i32
        %parallel_loop3A_445 = arith.addi %parallel_loop3A_443, %parallel_loop3A_444 : i32
        %parallel_loop3A_446 = arith.index_cast %parallel_loop3A_445 : i32 to index
        %parallel_loop3A_447 = tpu.vector_load %arg12[%parallel_loop3A_446] {strides = array<i32>} : memref<40962xf32, #tpu.memory_space<vmem>>, vector<16xf32>,
        tpu.vector_store %arg12[%parallel_loop3A_446], %parallel_loop3A_439 {strides = array<i32>} : memref<40962xf32, #tpu.memory_space<vmem>>, vector<16xf32>,
      } {sc.loop_unroll_factor = 16 : i64, sc.parallel_access}
      %dma_start3A_417 = arith.constant 0 : i32
      %dma_start3A_418 = tpu.memref_slice %arg5[%add3A_241, %dma_start3A_417] : memref<2048x40962xf32, #tpu.memory_space<hbm>> -> memref<1x40962xf32, #tpu.memory_space<hbm>>
      %dma_start3A_419 = tpu.memref_squeeze %dma_start3A_418 : memref<1x40962xf32, #tpu.memory_space<hbm>> -> memref<40962xf32, #tpu.memory_space<hbm>>
      %dma_start3A_420 = arith.constant 0 : i32
      %dma_start3A_421 = tpu.memref_slice %arg5[%add3A_241, %dma_start3A_420] : memref<2048x40962xf32, #tpu.memory_space<hbm>> -> memref<1x40962xf32, #tpu.memory_space<hbm>>
      %dma_start3A_422 = tpu.memref_squeeze %dma_start3A_421 : memref<1x40962xf32, #tpu.memory_space<hbm>> -> memref<40962xf32, #tpu.memory_space<hbm>>
      tpu.enqueue_dma source(%arg12 : memref<40962xf32, #tpu.memory_space<vmem>>) target(%dma_start3A_422 : memref<40962xf32, #tpu.memory_space<hbm>>) target_semaphore(%arg15 : memref<!tpu.dma_semaphore, #tpu.memory_space<semaphore_mem>>)
    }
    %scan3A_164 = arith.constant 64 : i32
    %dma_wait3A = arith.constant 0 : i32
    %dma_wait3A_165 = arith.constant 0 : i32
    %dma_wait3A_166 = tpu.memref_slice %arg5[%dma_wait3A, %dma_wait3A_165] : memref<2048x40962xf32, #tpu.memory_space<hbm>> -> memref<1x40962xf32, #tpu.memory_space<hbm>>
    %dma_wait3A_167 = tpu.memref_squeeze %dma_wait3A_166 : memref<1x40962xf32, #tpu.memory_space<hbm>> -> memref<40962xf32, #tpu.memory_space<hbm>>
    %dma_wait3A_168 = arith.constant 0 : i32
    %dma_wait3A_169 = tpu.memref_slice %arg5[%dma_wait3A, %dma_wait3A_168] : memref<2048x40962xf32, #tpu.memory_space<hbm>> -> memref<1x40962xf32, #tpu.memory_space<hbm>>
    %dma_wait3A_170 = tpu.memref_squeeze %dma_wait3A_169 : memref<1x40962xf32, #tpu.memory_space<hbm>> -> memref<40962xf32, #tpu.memory_space<hbm>>
    tpu.wait_dma2 semaphore(%arg15 : memref<!tpu.dma_semaphore, #tpu.memory_space<semaphore_mem>>) src(%dma_wait3A_170 : memref<40962xf32, #tpu.memory_space<hbm>>) dst(%arg12 : memref<40962xf32, #tpu.memory_space<vmem>>)
    %dma_wait3A_171 = arith.constant 0 : i32
    %dma_wait3A_172 = arith.constant 0 : i32
    %dma_wait3A_173 = tpu.memref_slice %arg2[%dma_wait3A_171, %dma_wait3A_172] : memref<2048x10242xf32, #tpu.memory_space<hbm>> -> memref<1x10242xf32, #tpu.memory_space<hbm>>
    %dma_wait3A_174 = tpu.memref_squeeze %dma_wait3A_173 : memref<1x10242xf32, #tpu.memory_space<hbm>> -> memref<10242xf32, #tpu.memory_space<hbm>>
    %dma_wait3A_175 = arith.constant 0 : i32
    %dma_wait3A_176 = tpu.memref_slice %arg2[%dma_wait3A_171, %dma_wait3A_175] : memref<2048x10242xf32, #tpu.memory_space<hbm>> -> memref<1x10242xf32, #tpu.memory_space<hbm>>
    %dma_wait3A_177 = tpu.memref_squeeze %dma_wait3A_176 : memref<1x10242xf32, #tpu.memory_space<hbm>> -> memref<10242xf32, #tpu.memory_space<hbm>>
    tpu.wait_dma2 semaphore(%arg13 : memref<!tpu.dma_semaphore, #tpu.memory_space<semaphore_mem>>) src(%dma_wait3A_177 : memref<10242xf32, #tpu.memory_space<hbm>>) dst(%arg8 : memref<10242xf32, #tpu.memory_space<vmem>>)
    %dma_wait3A_178 = arith.constant 0 : i32
    %dma_wait3A_179 = arith.constant 0 : i32
    %dma_wait3A_180 = tpu.memref_slice %arg2[%dma_wait3A_178, %dma_wait3A_179] : memref<2048x10242xf32, #tpu.memory_space<hbm>> -> memref<1x10242xf32, #tpu.memory_space<hbm>>
    %dma_wait3A_181 = tpu.memref_squeeze %dma_wait3A_180 : memref<1x10242xf32, #tpu.memory_space<hbm>> -> memref<10242xf32, #tpu.memory_space<hbm>>
    %dma_wait3A_182 = arith.constant 0 : i32
    %dma_wait3A_183 = tpu.memref_slice %arg2[%dma_wait3A_178, %dma_wait3A_182] : memref<2048x10242xf32, #tpu.memory_space<hbm>> -> memref<1x10242xf32, #tpu.memory_space<hbm>>
    %dma_wait3A_184 = tpu.memref_squeeze %dma_wait3A_183 : memref<1x10242xf32, #tpu.memory_space<hbm>> -> memref<10242xf32, #tpu.memory_space<hbm>>
    tpu.wait_dma2 semaphore(%arg14 : memref<!tpu.dma_semaphore, #tpu.memory_space<semaphore_mem>>) src(%dma_wait3A_184 : memref<10242xf32, #tpu.memory_space<hbm>>) dst(%arg9 : memref<10242xf32, #tpu.memory_space<vmem>>)
    %dma_wait3A_185 = arith.constant 0 : i32
    %dma_wait3A_186 = arith.constant 0 : i32
    %dma_wait3A_187 = tpu.memref_slice %arg2[%dma_wait3A_185, %dma_wait3A_186] : memref<2048x10242xf32, #tpu.memory_space<hbm>> -> memref<1x10242xf32, #tpu.memory_space<hbm>>
    %dma_wait3A_188 = tpu.memref_squeeze %dma_wait3A_187 : memref<1x10242xf32, #tpu.memory_space<hbm>> -> memref<10242xf32, #tpu.memory_space<hbm>>
    %dma_wait3A_189 = arith.constant 0 : i32
    %dma_wait3A_190 = tpu.memref_slice %arg2[%dma_wait3A_185, %dma_wait3A_189] : memref<2048x10242xf32, #tpu.memory_space<hbm>> -> memref<1x10242xf32, #tpu.memory_space<hbm>>
    %dma_wait3A_191 = tpu.memref_squeeze %dma_wait3A_190 : memref<1x10242xf32, #tpu.memory_space<hbm>> -> memref<10242xf32, #tpu.memory_space<hbm>>
    tpu.wait_dma2 semaphore(%arg14 : memref<!tpu.dma_semaphore, #tpu.memory_space<semaphore_mem>>) src(%dma_wait3A_191 : memref<10242xf32, #tpu.memory_space<hbm>>) dst(%arg10 : memref<10242xf32, #tpu.memory_space<vmem>>)
    return
  }
}

</mosaic_0001>

<sc_bundles>
// kernel: _upsample.3.cloned.1.call-start
scs
__scs_entry_jumppad:
0x0: {  	(pc) =	sbr.rel $0x88, $3  }
0x1: {  	(tag) =	ssettag $0x0;
	lr =	simm.s32 $0x1  }
0x2: {  	[smem:$0x3F9E] =	sst lr;
	_ =	strace $0xD0000000  }
0x3: {  	_ = 	snop  }
0x4: {  	_ = 	snop  }
0x5: {  	_ = 	snop  }
0x6: {  	_ = 	snop  }
0x7: {  	_ = 	snop  }
__scs_overlays_trampoline_lowered:
0x8: {  	[smem:$0x3FAD] =	sst s0  }
0x9: {  	[smem:$0x3FAE] =	sst s1  }
0xa: {  	[smem:$0x3FAF] =	sst s2  }
0xb: {  	[smem:$0x3FB0] =	sst s3  }
0xc: {  	[smem:$0x3FB1] =	sst s4  }
0xd: {  	[smem:$0x3FB2] =	sst s5  }
0xe: {  	[smem:$0x3FB3] =	sst s6  }
0xf: {  	[smem:$0x3FB4] =	sst s7  }
0x10: {  	[smem:$0x3FB5] =	sst s8  }
0x11: {  	[smem:$0x3FB6] =	sst s9;
	s0 =	simm.s32 @!p0 $0x0  }
0x12: {  	s1 =	sld [smem:$0x3F9C];
	s0 =	simm.s32 @p0 $0x1  }
0x13: {  	[smem:$0x3FB7] =	sst s0;
	s0 =	simm.s32 @!p1 $0x0  }
0x14: {  	s2 =	sld [smem:$0x3F9B];
	s0 =	simm.s32 @p1 $0x1  }
0x15: {  	[smem:$0x3FB8] =	sst s0;
	s0 =	simm.s32 @!p2 $0x0  }
0x16: {  	s3 =	sld [smem:$0x3FDB];
	s0 =	simm.s32 @p2 $0x1  }
0x17: {  	s4 =	simm.s32 $0x1BF5;
	[smem:$0x3FBA] =	sst s0  }
0x18: {  	s0 =	sld [smem:$0x3F9D];
	_ =	swait.ge [sflag:s4], $0x0  }
0x19: {  	s7 =	sld [smem:$0x3F9E]  }
0x1a: {  	s8 =	sadd.s32 $0xFFFFE003, lr  }
0x1b: {  	s9 =	sadd.s32 $0xFFFFFEF7, lr;
	s5 =	simm.s32 $0xFFFFFFFF;
	p2 =	slt.u32 s8, $0xFFFFF086  }
0x1c: {  	p1 =	slt.u32 s9, $0xF7A;
	s5 =	simm.s32 @!p2 $0x0  }
0x1d: {  	s5 =	simm.s32 @p1 $0x1;
	p0 =	seq.s32 s7, s2  }
0x1e: {  	s7 =	smul.u32 @!p0 $0xF7A, s2;
	p2 =	seq.s32 @!p0 s5, $0x0  }
0x1f: {  	s9 =	smul.u32 $0xF7A, s1;
	s8 =	simm.s32 @!p0 $0x1BF5;
	p2 =	por !p2, p0  }
0x20: {  	[sflag:s8] =	ssyncset.s32 @!p0 $0xFFFFF086;
	s6 =	sadd.s32 @!p0 s3, s7;
	s7 =	simm.s32 @!p0 $0x108  }
0x21: {  	s3 =	sadd.s32 s3, s9;
	s6 =	sadd.s32 @!p0 $0x88, s6;
	s7 =	simm.s32 @p2 $0x1082  }
0x22: {  	[simem:s7], [sflag:s8] =	dma.local @!p0 [hbm:s6], $0xF7A  }
0x23: {  	s9 =	sor.u32 $0xD0000000, s2;
	s6 =	simm.s32 $0x108;
	_ =	swait.ge @!p0 [sflag:s8], $0x0  }
0x24: {  	s3 =	sadd.s32 $0x88, s3;
	s6 =	simm.s32 @!p1 $0x1082;
	[sflag:s4] =	ssyncset.s32 $0xFFFFF086  }
0x25: {  	[simem:s6], [sflag:s4] =	dma.local [hbm:s3], $0xF7A  }
0x26: {  	[smem:$0x3F9E] =	sst s1;
	(tag) =	ssettag s2;
	_ =	strace s9  }
0x27: {  	s1 =	sld [smem:$0x3FAE]  }
0x28: {  	s2 =	sld [smem:$0x3FAF]  }
0x29: {  	s4 =	sld [smem:$0x3FB1]  }
0x2a: {  	p0 =	seq.s32 s5, $0x0;
	s5 =	sld [smem:$0x3FB2]  }
0x2b: {  	s6 =	sld [smem:$0x3FB3]  }
0x2c: {  	s7 =	sld [smem:$0x3FB4]  }
0x2d: {  	s3 =	simm.s32 $0x108;
	s8 =	sld [smem:$0x3FB5]  }
0x2e: {  	s3 =	simm.s32 @!p0 $0x1082;
	s9 =	sld [smem:$0x3FB6]  }
0x2f: {  	lr =	sadd.s32 s0, s3;
	s0 =	sld [smem:$0x3FAD]  }
0x30: {  	s3 =	sld [smem:$0x3FB0]  }
0x31: {  	[smem:$0x3FB9] =	sst s10  }
0x32: {  	s10 =	sld [smem:$0x3FB7];
	_ =	sdelay $0x3  }
0x33: {  	p0 =	seq.s32 s10, $0x1;
	s10 =	sld [smem:$0x3FB9];
	_ =	sdelay $0x3  }
0x34: {  	[smem:$0x3FB9] =	sst s10  }
0x35: {  	s10 =	sld [smem:$0x3FB8];
	_ =	sdelay $0x3  }
0x36: {  	p1 =	seq.s32 s10, $0x1;
	s10 =	sld [smem:$0x3FB9];
	_ =	sdelay $0x3  }
0x37: {  	[smem:$0x3FB9] =	sst s10  }
0x38: {  	s10 =	sld [smem:$0x3FBA]  }
0x39: {  	_ = 	snop;
	(pc) =	sbr.ind lr, $3  }
0x3a: {  	_ = 	snop  }
0x3b: {  	_ = 	snop  }
0x3c: {  	p2 =	seq.s32 s10, $0x1;
	s10 =	sld [smem:$0x3FB9]  }
0x3d: {  	_ =	shalt  }
0x3e: {  	_ =	shalt  }
0x3f: {  	_ =	shalt  }
0x40: {  	_ =	shalt  }
0x41: {  	_ =	shalt  }
0x42: {  	_ =	shalt  }
0x43: {  	_ =	shalt  }
0x44: {  	_ =	shalt  }
0x45: {  	_ =	shalt  }
0x46: {  	_ =	shalt  }
0x47: {  	_ =	shalt  }
0x48: {  	_ =	shalt  }
0x49: {  	_ =	shalt  }
0x4a: {  	_ =	shalt  }
0x4b: {  	_ =	shalt  }
0x4c: {  	_ =	shalt  }
0x4d: {  	_ =	shalt  }
0x4e: {  	_ =	shalt  }
0x4f: {  	_ =	shalt  }
0x50: {  	_ =	shalt  }
0x51: {  	_ =	shalt  }
0x52: {  	_ =	shalt  }
0x53: {  	_ =	shalt  }
0x54: {  	_ =	shalt  }
0x55: {  	_ =	shalt  }
0x56: {  	_ =	shalt  }
0x57: {  	_ =	shalt  }
0x58: {  	_ =	shalt  }
0x59: {  	_ =	shalt  }
0x5a: {  	_ =	shalt  }
0x5b: {  	_ =	shalt  }
0x5c: {  	_ =	shalt  }
0x5d: {  	_ =	shalt  }
0x5e: {  	_ =	shalt  }
0x5f: {  	_ =	shalt  }
0x60: {  	_ =	shalt  }
0x61: {  	_ =	shalt  }
0x62: {  	_ =	shalt  }
0x63: {  	_ =	shalt  }
0x64: {  	_ =	shalt  }
0x65: {  	_ =	shalt  }
0x66: {  	_ =	shalt  }
0x67: {  	_ =	shalt  }
0x68: {  	_ =	shalt  }
0x69: {  	_ =	shalt  }
0x6a: {  	_ =	shalt  }
0x6b: {  	_ =	shalt  }
0x6c: {  	_ =	shalt  }
0x6d: {  	_ =	shalt  }
0x6e: {  	_ =	shalt  }
0x6f: {  	_ =	shalt  }
0x70: {  	_ =	shalt  }
0x71: {  	_ =	shalt  }
0x72: {  	_ =	shalt  }
0x73: {  	_ =	shalt  }
0x74: {  	_ =	shalt  }
0x75: {  	_ =	shalt  }
0x76: {  	_ =	shalt  }
0x77: {  	_ =	shalt  }
0x78: {  	_ =	shalt  }
0x79: {  	_ =	shalt  }
0x7a: {  	_ =	shalt  }
0x7b: {  	_ =	shalt  }
0x7c: {  	_ =	shalt  }
0x7d: {  	_ =	shalt  }
0x7e: {  	_ =	shalt  }
0x7f: {  	_ =	shalt  }
0x80: {  	_ =	shalt  }
0x81: {  	_ =	shalt  }
0x82: {  	_ =	shalt  }
0x83: {  	_ =	shalt  }
0x84: {  	_ =	shalt  }
0x85: {  	_ =	shalt  }
0x86: {  	_ =	shalt  }
0x87: {  	_ =	shalt  }
.Lfunc_end0:
.L_simem_size_0:
called_computation_lowered:
.L_overlay_start_0:
0x88: {  	s2 =	sld [smem:$0x3FD9]  }
0x89: {  	s3 =	sld [smem:$0x3FFE];
	_ =	sdelay $0x1  }
0x8a: {  	s1 =	srdreg.scid  }
0x8b: {  	s0 =	sand.u32 $0x1, s1  }
0x8c: {  	s17 =	sshll.u32 s0, $0xA;
	s2 =	sadd.s32 s3, s2  }
0x8d: {  	s2 =	sadd.s32 s2, s17  }
0x8e: {  	[smem:$0x3FC5] =	sst s2  }
0x8f: {  	_ = 	snop  }
0x90: {  	s2 =	sld [smem:$0x3FC8]  }
0x91: {  	s18 =	sld [smem:$0x3FC7]  }
0x92: {  	s4 =	sld [smem:$0x3FD0];
	(tm) =	ssettm $0x1  }
0x93: {  	s5 =	sld [smem:$0x3FFB];
	_ =	sdelay $0x3  }
0x94: {  	_ =	strace s5  }
0x95: {  	s5 =	sld [smem:$0x3FFC];
	_ =	sdelay $0x3  }
0x96: {  	_ =	strace s5  }
0x97: {  	s5 =	sld [smem:$0x3FFD];
	_ =	sdelay $0x3  }
0x98: {  	_ =	strace s5  }
0x99: {  	_ =	strace $0x8FFFFFFF  }
0x9a: {  	s19 =	sld [smem:$0x3FDB];
	_ =	sdelay $0x1  }
0x9b: {  	s6 =	simm.s32 $_scs_section_size  }
0x9c: {  	s7 =	simm.s32 $_size__tile_overlayer_lowered;
	s8 =	simm.s32 $_tile_overlayer_lowered  }
0x9d: {  	s22 =	simm.s32 $0x1BFF;
	s21 =	sshll.u32 s8, $0x1;
	s5 =	sadd.s32 s6, s19  }
0x9e: {  	s9 =	simm.s32 $0x0;
	s20 =	sshll.u32 s7, $0x1;
	s7 =	sadd.s32 s21, s5  }
0x9f: {  	[timem:s9], [sflag:s22] =	dma.local [hbm:s7], s20  }
0xa0: {  	_ =	swait.ge [sflag:s22], s20  }
0xa1: {  	s6 =	ssub.s32 $0x0, s20;
	[sflag:s22] =	ssyncset.done $0x0  }
0xa2: {  	[sflag:s22] =	ssyncadd.s32 s6;
	_ =	sdelay $0x1  }
0xa3: {  	s23 =	simm.s32 $0x1B8B  }
0xa4: {  	_ =	swait.ge [sflag:s23], $0x1  }
0xa5: {  	[sflag:s23] =	ssyncset.done $0x0  }
0xa6: {  	s25 =	simm.s32 $0x1B8E;
	s24 =	sld [smem:$0x3FFE];
	[sflag:s23] =	ssyncadd.s32 $0xFFFFFFFF  }
0xa7: {  	s26 =	simm.s32 $execute0_lowered;
	[smem:$0x3FD2] =	sst s25  }
0xa8: {  	s7 =	sshll.u32 s26, $0x1;
	_ =	strace $0x80000046;
	[dreg:$0x1] =	wrdreg $0xFFFFFFFF  }
0xa9: {  	s28 =	simm.s32 $_size_execute0_lowered;
	s5 =	sadd.s32 s5, s7;
	[dreg:$0x0] =	wrdreg $0x0  }
0xaa: {  	s7 =	sshll.u32 s28, $0x1;
	[dreg:$0x2] =	wrdreg s5  }
0xab: {  	[dreg:$0x3] =	wrdreg s7  }
0xac: {  	[dreg:$0x4] =	wrdreg $0xC0  }
0xad: {  	_ =	task [dreg:s9], $0x5FFFF  }
0xae: {  	[dreg:$0x1] =	wrdreg $0xFFFFFFFF  }
0xaf: {  	[dreg:$0x0] =	wrdreg $0x60  }
0xb0: {  	[dreg:$0x2] =	wrdreg s4  }
0xb1: {  	[dreg:$0x3] =	wrdreg s2  }
0xb2: {  	[dreg:$0x4] =	wrdreg s18  }
0xb3: {  	[dreg:$0x5] =	wrdreg s24  }
0xb4: {  	[dreg:$0x6] =	wrdreg $0x9  }
0xb5: {  	_ =	task.clear_ibuf [dreg:s9], $0x7FFFF;
	_ =	strace $0x90000046  }
0xb6: {  	s29 =	simm.s32 $0x9;
	_ =	strace $0x80000048  }
0xb7: {  	_ =	swait.ge [sflag:s29], $0x1  }
0xb8: {  	[sflag:s29] =	ssyncadd.s32 $0xFFFFFFFF  }
0xb9: {  	_ =	strace $0x90000048  }
0xba: {  	_ =	sfence  }
0xbb: {  	s30 =	sld [smem:$0x0];
	_ =	sdelay $0x2  }
0xbc: {  	s31 =	sshll.u32 s1, $0xD;
	s1 =	sshrl.u32 s1, $0x2  }
0xbd: {  	s3 =	sand.u32 $0x4000, s31;
	s1 =	sadd.s32 s1, s30  }
0xbe: {  	s0 =	sor.u32 s3, s0;
	s1 =	sshll.u32 s1, $0x11  }
0xbf: {  	s0 =	sor.u32 s1, s0  }
0xc0: {  	s0 =	sadd.s32 $0x8F2B, s0  }
0xc1: {  	[sflag:s0] =	ssyncadd.remote.s32 $0x1  }
0xc2: {  	_ =	sfence.sel $0xFFFF  }
0xc3: {  	[dreg:$0x0] =	wrdreg $0xFFFFFFFF;
	(pc) =	sbr.abs _section_cstart, $3  }
0xc4: {  	[dreg:$0x1] =	wrdreg $0xFFFFFFFF  }
0xc5: {  	_ =	task.clear_ibuf [dreg:s9], $0x2FFFF;
	_ =	strace $0x9FFFFFFF  }
0xc6: {  	(tm) =	ssettm $0x7FFFFFFF  }
0xc7: {  	_ =	shalt  }
tec
execute0_lowered:
.L_overlay_start_1:
0x0: {  	(tag) =	ssettag $0x1  }
0x1: {  	s1 =	rddreg [dreg:$0x0]  }
0x2: {  	s0 =	rddreg [dreg:$0x2]  }
0x3: {  	s2 =	rddreg [dreg:$0x3]  }
0x4: {  	s3 =	srdreg.scid;
	s6 =	stileid.u32  }
0x5: {  	s7 =	simm.s32 $0x0;
	s15 =	simm.s32 $0x4;
	s16 =	simm.s32 $0x80  }
0x6: {  	s19 =	simm.s32 $0x400;
	s20 =	simm.s32 $0x5080;
	s21 =	simm.s32 $0x7900  }
0x7: {  	s22 =	simm.s32 $0xA180;
	s23 =	simm.s32 $0x2;
	s24 =	simm.s32 $0x1  }
0x8: {  	s28 =	simm.s32 $0x3;
	s29 =	simm.s32 $0x0;
	s3 =	sand.u32 $0x1, s3  }
0x9: {  	s4 =	sshll.u32 s6, $0x7;
	s10 =	sshrl.u32 s6, $0x3;
	s6 =	sshll.u32 s6, $0x8  }
0xa: {  	[smem:$0x7FF] =	sst s7;
	s5 =	sshll.u32 s3, $0x6;
	s4 =	sand.u32 $0x80, s4  }
0xb: {  	s9 =	sadd.s32 $0x400, s2;
	s25 =	sshll.u32 s10, $0x8;
	s5 =	sor.u32 s5, s4  }
0xc: {  	s6 =	sand.u32 $0x600, s6;
	_ =	strace $0x80000047;
	s8 =	sshll.u32 s5, $0x1  }
0xd: {  	s3 =	ssub.s32 $0x2, s3;
	s7 =	sor.u32 s25, s6;
	s26 =	sor.u32 s6, s8  }
0xe: {  	s31 =	sshll.u32 s10, $0x4;
	s8 =	sor.u32 s5, s7;
	s4 =	sshrl.u32 s26, $0x3  }
0xf: {  	s30 =	sshrl.u32 s3, $0x1;
	s11 =	sshrl.u32 s8, $0x3;
	s4 =	smul.u32 $0x2880, s4  }
0x10: {  	s25 =	simm.s32 $0xCA00;
	s2 =	ssub.s32 s3, s30;
	s12 =	smul.u32 $0x2880, s11  }
0x11: {  	s14 =	smax.u32 s2, $0x1;
	s26 =	simm.s32 $0xF280;
	s10 =	sadd.s32 s1, s4  }
0x12: {  	s11 =	sadd.s32 s0, s31;
	s12 =	sadd.s32 s1, s12;
	s13 =	sadd.s32 $0x10, s10  }
.LBB2_1:
0x13: {  	s0 =	rddreg [dreg:$0x1];
	s2 =	simm.s32 $0x0  }
0x14: {  	[tilespmem:s2], [sflag:$0x4] =	stream.linear.gather [hbm4b:s0+s2], $0x1480, $0x38;
	[tilespmem:$0x19300] =	vst v63  }
0x15: {  	_ =	swait.ge [sflag:s15], $0x1480  }
0x16: {  	[sflag:s15] =	ssyncset.done $0x0  }
0x17: {  	s18 =	simm.s32 $0x100;
	s31 =	simm.s32 $0x1480;
	[sflag:s15] =	ssyncadd.s32 $0xFFFFEB80  }
0x18: {  	[tilespmem:s31], [sflag:$0x4] =	stream.strided.gather [hbm4b:s11+s16], $0x3C00, s18, s16, $0x38;
	[tilespmem:$0x19300] =	vst v63  }
0x19: {  	_ =	swait.ge [sflag:s15], $0x3C00  }
0x1a: {  	[sflag:s15] =	ssyncset.done $0x0  }
0x1b: {  	[sflag:s15] =	ssyncadd.s32 $0xFFFFC400  }
0x1c: {  	[tilespmem:s20], [sflag:$0x1] =	stream.strided.gather [hbm4b:s12+s16], $0x2880, s19, s16, $0x38;
	[tilespmem:$0x19300] =	vst v63  }
0x1d: {  	_ = 	snop  }
0x1e: {  	[tilespmem:s21], [sflag:$0x2] =	stream.strided.gather [hbm4b:s10+s16], $0x2880, s19, s16, $0x38;
	[tilespmem:$0x19300] =	vst v63  }
0x1f: {  	s30 =	simm.s32 $0x0  }
0x20: {  	[tilespmem:s22], [sflag:$0x2] =	stream.strided.gather [hbm4b:s13+s16], $0x2880, s19, s16, $0x38;
	[tilespmem:$0x19300] =	vst v63  }
.LBB2_2:
0x21: {  	_ =	swait.ge [sflag:s23], $0x2880  }
0x22: {  	[sflag:s23] =	ssyncset.done $0x0  }
0x23: {  	[sflag:s23] =	ssyncadd.s32 $0xFFFFD780  }
0x24: {  	_ =	swait.ge [sflag:s23], $0x2880  }
0x25: {  	[sflag:s23] =	ssyncset.done $0x0  }
0x26: {  	s4 =	simm.s32 $0x7940;
	[sflag:s23] =	ssyncadd.s32 $0xFFFFD780  }
0x27: {  	s0 =	simm.s32 $0xA1C0;
	v1 =	vld [tilespmem:s4+$0x30]  }
0x28: {  	v2 =	vld [tilespmem:s0+$0x30]  }
0x29: {  	v0 =	vld [tilespmem:s0+$0xFFFFFFC0]  }
0x2a: {  	v3 =	vld [tilespmem:s4+$0xFFFFFFD0]  }
0x2b: {  	v4 =	vld [tilespmem:s0+$0xFFFFFFD0]  }
0x2c: {  	v5 =	vld [tilespmem:s4+$0xFFFFFFE0]  }
0x2d: {  	v6 =	vld [tilespmem:s0+$0xFFFFFFE0]  }
0x2e: {  	v7 =	vld [tilespmem:s4+$0xFFFFFFF0]  }
0x2f: {  	v8 =	vld [tilespmem:s0+$0xFFFFFFF0]  }
0x30: {  	v9 =	vld [tilespmem:s4+$0x0];
	v1 =	vadd.f32 v2, v1  }
0x31: {  	v10 =	vld [tilespmem:s0+$0x0];
	v2 =	vadd.f32 v4, v3  }
0x32: {  	v5 =	vadd.f32 v6, v5;
	v3 =	vld [tilespmem:s0+$0x10];
	v4 =	vmul.f32 $5.000000000e-01, v1  }
0x33: {  	s2 =	simm.s32 $0xCA40;
	v1 =	vld [tilespmem:s4+$0x10];
	v6 =	vmul.f32 $5.000000000e-01, v2  }
0x34: {  	v7 =	vadd.f32 v8, v7;
	v11 =	vmul.f32 $5.000000000e-01, v5;
	v2 =	vld [tilespmem:s4+$0x20];
	[tilespmem:s2+$0x30] =	vst v4  }
0x35: {  	v5 =	vld [tilespmem:s0+$0x20];
	[tilespmem:s2+$0xFFFFFFD0] =	vst v6  }
0x36: {  	s3 =	simm.s32 $0x0;
	v4 =	vld [tilespmem:s4+$0xFFFFFFC0];
	[tilespmem:s2+$0xFFFFFFE0] =	vst v11;
	v6 =	vmul.f32 $5.000000000e-01, v7;
	v7 =	vadd.f32 v10, v9;
	s4 =	simm.s32 $0x79C0  }
.LBB2_3:
0x37: {  	v8 =	vld [tilespmem:s4+$0x30];
	s0 =	sadd.s32 $0x80, s0  }
0x38: {  	s3 =	sadd.s32 $0x80, s3;
	v9 =	vld [tilespmem:s0+$0x30];
	[tilespmem:s2+$0xFFFFFFF0] =	vst v6;
	v6 =	vmul.f32 $5.000000000e-01, v7;
	v1 =	vadd.f32 v3, v1  }
0x39: {  	p0 =	slt.u32 s3, $0x2780;
	v3 =	vld [tilespmem:s0+$0xFFFFFFC0]  }
0x3a: {  	v7 =	vld [tilespmem:s4+$0xFFFFFFD0];
	[tilespmem:s2+$0x0] =	vst v6;
	v1 =	vmul.f32 $5.000000000e-01, v1;
	v2 =	vadd.f32 v5, v2  }
0x3b: {  	v5 =	vld [tilespmem:s0+$0xFFFFFFD0];
	v10 =	vadd.f32 v0, v4  }
0x3c: {  	v4 =	vld [tilespmem:s4+$0xFFFFFFE0];
	[tilespmem:s2+$0x10] =	vst v1;
	v1 =	vmul.f32 $5.000000000e-01, v2  }
0x3d: {  	v2 =	vld [tilespmem:s0+$0xFFFFFFE0];
	v6 =	vadd.f32 v9, v8;
	v8 =	vmul.f32 $5.000000000e-01, v10  }
0x3e: {  	v9 =	vld [tilespmem:s4+$0xFFFFFFF0];
	[tilespmem:s2+$0x20] =	vst v1;
	v0 =	vmov v3  }
0x3f: {  	v10 =	vld [tilespmem:s0+$0xFFFFFFF0];
	v1 =	vmul.f32 $5.000000000e-01, v6;
	[tilespmem:s2+$0xFFFFFFC0] =	vst v8  }
0x40: {  	s2 =	sadd.s32 $0x80, s2;
	v3 =	vadd.f32 v5, v7;
	v7 =	vld [tilespmem:s4+$0x0]  }
0x41: {  	v8 =	vld [tilespmem:s0+$0x0];
	[tilespmem:s2+$0x30] =	vst v1  }
.Ltmp0:
0x42: {  	v5 =	vmul.f32 $5.000000000e-01, v3;
	v2 =	vadd.f32 v2, v4;
	v1 =	vld [tilespmem:s4+$0x10];
	(pc) =	sbr.rel @p0 .LBB2_3-.Ltmp0, $4  }
0x43: {  	v3 =	vld [tilespmem:s0+$0x10]  }
0x44: {  	[tilespmem:s2+$0xFFFFFFD0] =	vst v5;
	v6 =	vmul.f32 $5.000000000e-01, v2;
	v9 =	vadd.f32 v10, v9;
	v2 =	vld [tilespmem:s4+$0x20]  }
0x45: {  	v5 =	vld [tilespmem:s0+$0x20]  }
0x46: {  	v4 =	vld [tilespmem:s4+$0xFFFFFFC0];
	[tilespmem:s2+$0xFFFFFFE0] =	vst v6;
	v6 =	vmul.f32 $5.000000000e-01, v9;
	v7 =	vadd.f32 v8, v7;
	s4 =	sadd.s32 $0x80, s4  }
0x47: {  	_ =	sdelay $0x1  }
0x48: {  	v1 =	vadd.f32 v3, v1  }
0x49: {  	v3 =	vmul.f32 $5.000000000e-01, v7;
	v2 =	vadd.f32 v5, v2  }
0x4a: {  	[tilespmem:s2+$0xFFFFFFF0] =	vst v6;
	v1 =	vmul.f32 $5.000000000e-01, v1;
	v0 =	vadd.f32 v0, v4  }
0x4b: {  	[tilespmem:s2+$0x0] =	vst v3;
	v2 =	vmul.f32 $5.000000000e-01, v2  }
0x4c: {  	[tilespmem:s2+$0x10] =	vst v1;
	v0 =	vmul.f32 $5.000000000e-01, v0  }
0x4d: {  	[tilespmem:s2+$0x20] =	vst v2  }
0x4e: {  	[tilespmem:s2+$0xFFFFFFC0] =	vst v0  }
0x4f: {  	s31 =	sadd.s32 $0x1, s30;
	v0 =	vld [tilespmem:$0xA0F2]  }
0x50: {  	s2 =	smin.u32 s31, $0x3F;
	v1 =	vld [tilespmem:$0xC972]  }
0x51: {  	s3 =	sor.u32 s5, s2  }
0x52: {  	s0 =	sshll.u32 s3, $0x1  }
0x53: {  	s0 =	sor.u32 s6, s0  }
0x54: {  	s0 =	sshrl.u32 s0, $0x3  }
0x55: {  	s4 =	sshll.u32 s2, $0x8;
	s0 =	smul.u32 $0x14400, s0;
	v0 =	vadd.f32 v1, v0  }
0x56: {  	s4 =	sand.u32 $0x300, s4  }
0x57: {  	s0 =	sor.u32 s4, s0;
	v0 =	vmul.f32 $5.000000000e-01, v0  }
0x58: {  	s0 =	sshrl.u32 s0, $0x3  }
0x59: {  	s0 =	sadd.s32 s1, s0;
	[tilespmem:$0xF1F2] =	vst v0  }
0x5a: {  	[tilespmem:s21], [sflag:$0x2] =	stream.strided.gather [hbm4b:s0+s16], $0x2880, s19, s16, $0x38;
	[tilespmem:$0x19300] =	vst v63  }
0x5b: {  	s0 =	sadd.s32 $0x10, s0  }
0x5c: {  	[tilespmem:s22], [sflag:$0x2] =	stream.strided.gather [hbm4b:s0+s16], $0x2880, s19, s16, $0x38;
	[tilespmem:$0x19300] =	vst v63  }
0x5d: {  	_ =	swait.ge [sflag:s24], $0x2880  }
0x5e: {  	p0 =	seq.s32 s30, $0x0;
	[sflag:s24] =	ssyncset.done $0x0  }
0x5f: {  	s0 =	simm.s32 @!p0 $0x3;
	[sflag:s24] =	ssyncadd.s32 $0xFFFFD780  }
0x60: {  	_ =	swait.ge @!p0 [sflag:s0], $0xA080  }
0x61: {  	[sflag:s0] =	ssyncset.done @!p0 $0x0  }
0x62: {  	s18 =	simm.s32 $0x40;
	[sflag:s0] =	ssyncadd.s32 @!p0 $0xFFFF5F80  }
0x63: {  	v0 =	vld [tilespmem:s18+$0x30]  }
0x64: {  	v1 =	vld [tilespmem:s18+$0xFFFFFFD0]  }
0x65: {  	v2 =	vld [tilespmem:s18+$0xFFFFFFE0]  }
0x66: {  	v3 =	vld [tilespmem:s18+$0xFFFFFFF0]  }
0x67: {  	v4 =	vld [tilespmem:s18+$0x0]  }
0x68: {  	v5 =	vld [tilespmem:s18+$0x10];
	v6 =	vand.u32 $0xFFFF, v0  }
0x69: {  	v8 =	vld [tilespmem:s18+$0x20];
	v7 =	vand.u32 $0xFFFF, v1  }
0x6a: {  	v10 =	vld [tilespmem:s18+$0xFFFFFFC0];
	v9 =	vand.u32 $0xFFFF, v2  }
0x6b: {  	v11 =	vand.u32 $0xFFFF, v3  }
0x6c: {  	v12 =	vand.u32 $0xFFFF, v4  }
0x6d: {  	v13 =	vand.u32 $0xFFFF, v5;
	v6 =	vld.idx.msk [tilespmem:v6+s20+$0x0], $0xffff  }
0x6e: {  	v14 =	vand.u32 $0xFFFF, v8;
	v7 =	vld.idx.msk [tilespmem:v7+s20+$0x0], $0xffff  }
0x6f: {  	v15 =	vand.u32 $0xFFFF, v10;
	v9 =	vld.idx.msk [tilespmem:v9+s20+$0x0], $0xffff  }
0x70: {  	v0 =	vshra.s32 v0, $0x10;
	v11 =	vld.idx.msk [tilespmem:v11+s20+$0x0], $0xffff  }
0x71: {  	v1 =	vshra.s32 v1, $0x10;
	v12 =	vld.idx.msk [tilespmem:v12+s20+$0x0], $0xffff  }
0x72: {  	s4 =	simm.s32 $0xF300;
	v16 =	vshra.s32 v2, $0x10;
	v13 =	vld.idx.msk [tilespmem:v13+s20+$0x0], $0xffff  }
0x73: {  	v17 =	vshra.s32 v3, $0x10;
	v14 =	vld.idx.msk [tilespmem:v14+s20+$0x0], $0xffff;
	[tilespmem:s4+$0x60] =	vst v6  }
0x74: {  	v2 =	vld.idx.msk [tilespmem:v15+s20+$0x0], $0xffff;
	v6 =	vshra.s32 v4, $0x10;
	[tilespmem:s4+$0xFFFFFFA0] =	vst v7  }
0x75: {  	v7 =	vshra.s32 v5, $0x10;
	[tilespmem:s4+$0xFFFFFFC0] =	vst v9;
	v18 =	vld.idx.msk [tilespmem:v0+s20+$0x0], $0xffff  }
0x76: {  	[tilespmem:s4+$0xFFFFFFE0] =	vst v11;
	v3 =	vld.idx.msk [tilespmem:v1+s20+$0x0], $0xffff  }
0x77: {  	[tilespmem:s4+$0x0] =	vst v12;
	v4 =	vld.idx.msk [tilespmem:v16+s20+$0x0], $0xffff  }
0x78: {  	[tilespmem:s4+$0x20] =	vst v13;
	v5 =	vld.idx.msk [tilespmem:v17+s20+$0x0], $0xffff  }
0x79: {  	[tilespmem:s4+$0x40] =	vst v14;
	v6 =	vld.idx.msk [tilespmem:v6+s20+$0x0], $0xffff  }
0x7a: {  	s17 =	simm.s32 $0x0;
	s0 =	sor.u32 s30, s8;
	s18 =	simm.s32 $0xC0;
	v0 =	vshra.s32 v8, $0x10;
	v1 =	vshra.s32 v10, $0x10;
	v7 =	vld.idx.msk [tilespmem:v7+s20+$0x0], $0xffff;
	[tilespmem:s4+$0x70] =	vst v18  }
.LBB2_5:
0x7b: {  	v8 =	vld [tilespmem:s18+$0x30];
	s17 =	sadd.s32 $0x80, s17;
	[tilespmem:s4+$0xFFFFFF80] =	vst v2  }
0x7c: {  	v2 =	vld [tilespmem:s18+$0xFFFFFFD0];
	p0 =	slt.u32 s17, $0x1380;
	[tilespmem:s4+$0xFFFFFFB0] =	vst v3  }
0x7d: {  	v3 =	vld [tilespmem:s18+$0xFFFFFFE0];
	[tilespmem:s4+$0xFFFFFFD0] =	vst v4  }
0x7e: {  	v4 =	vld [tilespmem:s18+$0xFFFFFFF0];
	[tilespmem:s4+$0xFFFFFFF0] =	vst v5  }
0x7f: {  	v5 =	vld [tilespmem:s18+$0x0];
	[tilespmem:s4+$0x10] =	vst v6  }
0x80: {  	v6 =	vld [tilespmem:s18+$0x10];
	v9 =	vand.u32 $0xFFFF, v8;
	[tilespmem:s4+$0x30] =	vst v7  }
0x81: {  	v7 =	vshra.s32 v2, $0x10;
	v2 =	vand.u32 $0xFFFF, v2;
	v10 =	vld [tilespmem:s18+$0x20]  }
0x82: {  	v11 =	vld [tilespmem:s18+$0xFFFFFFC0];
	v12 =	vshra.s32 v3, $0x10;
	v3 =	vand.u32 $0xFFFF, v3  }
0x83: {  	v13 =	vshra.s32 v4, $0x10;
	v4 =	vand.u32 $0xFFFF, v4;
	v14 =	vld.idx.msk [tilespmem:v1+s20+$0x0], $0xffff  }
0x84: {  	v15 =	vshra.s32 v5, $0x10;
	v5 =	vand.u32 $0xFFFF, v5;
	v16 =	vld.idx.msk [tilespmem:v0+s20+$0x0], $0xffff  }
0x85: {  	v17 =	vshra.s32 v6, $0x10;
	v6 =	vand.u32 $0xFFFF, v6;
	v9 =	vld.idx.msk [tilespmem:v9+s20+$0x0], $0xffff  }
0x86: {  	v2 =	vld.idx.msk [tilespmem:v2+s20+$0x0], $0xffff;
	v0 =	vshra.s32 v10, $0x10;
	v10 =	vand.u32 $0xFFFF, v10  }
0x87: {  	v8 =	vshra.s32 v8, $0x10;
	v1 =	vshra.s32 v11, $0x10;
	v11 =	vand.u32 $0xFFFF, v11;
	v3 =	vld.idx.msk [tilespmem:v3+s20+$0x0], $0xffff  }
0x88: {  	v4 =	vld.idx.msk [tilespmem:v4+s20+$0x0], $0xffff  }
0x89: {  	v5 =	vld.idx.msk [tilespmem:v5+s20+$0x0], $0xffff;
	[tilespmem:s4+$0xFFFFFF90] =	vst v14  }
0x8a: {  	v6 =	vld.idx.msk [tilespmem:v6+s20+$0x0], $0xffff;
	[tilespmem:s4+$0x50] =	vst v16;
	s4 =	sadd.s32 $0x100, s4  }
0x8b: {  	v10 =	vld.idx.msk [tilespmem:v10+s20+$0x0], $0xffff;
	[tilespmem:s4+$0x60] =	vst v9  }
0x8c: {  	[tilespmem:s4+$0xFFFFFFA0] =	vst v2;
	v8 =	vld.idx.msk [tilespmem:v8+s20+$0x0], $0xffff  }
0x8d: {  	v2 =	vld.idx.msk [tilespmem:v11+s20+$0x0], $0xffff;
	[tilespmem:s4+$0xFFFFFFC0] =	vst v3  }
.Ltmp1:
0x8e: {  	v3 =	vld.idx.msk [tilespmem:v7+s20+$0x0], $0xffff;
	[tilespmem:s4+$0xFFFFFFE0] =	vst v4;
	(pc) =	sbr.rel @p0 .LBB2_5-.Ltmp1, $4  }
0x8f: {  	v4 =	vld.idx.msk [tilespmem:v12+s20+$0x0], $0xffff;
	[tilespmem:s4+$0x0] =	vst v5  }
0x90: {  	v5 =	vld.idx.msk [tilespmem:v13+s20+$0x0], $0xffff;
	[tilespmem:s4+$0x20] =	vst v6  }
0x91: {  	v6 =	vld.idx.msk [tilespmem:v15+s20+$0x0], $0xffff;
	[tilespmem:s4+$0x40] =	vst v10  }
0x92: {  	s18 =	sadd.s32 $0x80, s18;
	v7 =	vld.idx.msk [tilespmem:v17+s20+$0x0], $0xffff;
	[tilespmem:s4+$0x70] =	vst v8  }
0x93: {  	_ =	sdelay $0x2  }
0x94: {  	[tilespmem:s4+$0xFFFFFF80] =	vst v2  }
0x95: {  	[tilespmem:s4+$0xFFFFFFB0] =	vst v3;
	v0 =	vld.idx.msk [tilespmem:v0+s20+$0x0], $0xffff  }
0x96: {  	v1 =	vld.idx.msk [tilespmem:v1+s20+$0x0], $0xffff;
	[tilespmem:s4+$0xFFFFFFD0] =	vst v4  }
0x97: {  	[tilespmem:s4+$0xFFFFFFF0] =	vst v5  }
0x98: {  	[tilespmem:s4+$0x10] =	vst v6  }
0x99: {  	[tilespmem:s4+$0x30] =	vst v7  }
0x9a: {  	[tilespmem:s4+$0x50] =	vst v0  }
0x9b: {  	[tilespmem:s4+$0xFFFFFF90] =	vst v1  }
0x9c: {  	v0 =	vld [tilespmem:$0x1400];
	_ =	sdelay $0x4  }
0x9d: {  	v1 =	vand.u32 $0xFFFF, v0;
	_ =	sdelay $0x4  }
0x9e: {  	v1 =	vld.idx.msk [tilespmem:v1+s20+$0x0], $0xffff  }
0x9f: {  	v0 =	vshra.s32 v0, $0x10;
	_ =	sdelay $0x3  }
0xa0: {  	s3 =	sor.u32 s7, s3;
	[tilespmem:$0x11A80] =	vst v1  }
0xa1: {  	s3 =	sshrl.u32 s3, $0x3;
	v0 =	vld.idx.msk [tilespmem:v0+s20+$0x0], $0xffff  }
0xa2: {  	s2 =	sshll.u32 s2, $0x7;
	s3 =	smul.u32 $0x14400, s3  }
0xa3: {  	s2 =	sand.u32 $0x380, s2  }
0xa4: {  	s2 =	sor.u32 s2, s3  }
0xa5: {  	s2 =	sshrl.u32 s2, $0x3  }
0xa6: {  	s18 =	simm.s32 $0x1500;
	s2 =	sadd.s32 s1, s2;
	[tilespmem:$0x11A90] =	vst v0  }
0xa7: {  	[tilespmem:s20], [sflag:$0x1] =	stream.strided.gather [hbm4b:s2+s16], $0x2880, s19, s16, $0x38;
	[tilespmem:$0x19300] =	vst v63  }
0xa8: {  	v0 =	vld [tilespmem:s18+$0x70]  }
0xa9: {  	v1 =	vld [tilespmem:s18+$0xFFFFFF90]  }
0xaa: {  	v2 =	vld [tilespmem:s18+$0xFFFFFFA0]  }
0xab: {  	v3 =	vld [tilespmem:s18+$0xFFFFFFB0]  }
0xac: {  	v4 =	vld [tilespmem:s18+$0xFFFFFFC0]  }
0xad: {  	v5 =	vld [tilespmem:s18+$0xFFFFFFD0]  }
0xae: {  	v7 =	vld [tilespmem:s18+$0xFFFFFFE0]  }
0xaf: {  	v8 =	vld [tilespmem:s18+$0xFFFFFFF0]  }
0xb0: {  	v9 =	vld [tilespmem:s18+$0x0]  }
0xb1: {  	v10 =	vld [tilespmem:s18+$0x10]  }
0xb2: {  	v11 =	vld [tilespmem:s18+$0x20]  }
0xb3: {  	v12 =	vld [tilespmem:s18+$0x30];
	v6 =	vand.u32 $0xFFFF, v0  }
0xb4: {  	v14 =	vld [tilespmem:s18+$0x40];
	v13 =	vand.u32 $0xFFFF, v1  }
0xb5: {  	v16 =	vld [tilespmem:s18+$0x50];
	v15 =	vand.u32 $0xFFFF, v2  }
0xb6: {  	v18 =	vld [tilespmem:s18+$0x60];
	v17 =	vand.u32 $0xFFFF, v3  }
0xb7: {  	v20 =	vld [tilespmem:s18+$0xFFFFFF80];
	v19 =	vand.u32 $0xFFFF, v4  }
0xb8: {  	v21 =	vand.u32 $0xFFFF, v7;
	v6 =	vld.idx.msk [tilespmem:v6+s25+$0x0], $0xffff  }
0xb9: {  	v0 =	vshra.s32 v0, $0x10;
	v13 =	vld.idx.msk [tilespmem:v13+s25+$0x0], $0xffff  }
0xba: {  	v22 =	vand.u32 $0xFFFF, v8;
	v15 =	vld.idx.msk [tilespmem:v15+s25+$0x0], $0xffff  }
0xbb: {  	v23 =	vand.u32 $0xFFFF, v9;
	v17 =	vld.idx.msk [tilespmem:v17+s25+$0x0], $0xffff  }
0xbc: {  	s2 =	simm.s32 $0x11C72;
	v24 =	vand.u32 $0xFFFF, v20;
	v19 =	vld.idx.msk [tilespmem:v19+s25+$0x0], $0xffff  }
0xbd: {  	v21 =	vld.idx.msk [tilespmem:v21+s25+$0x0], $0xffff;
	[tilespmem:s2+$0xFFFFFFF0] =	vst v6;
	v6 =	vand.u32 $0xFFFF, v5  }
0xbe: {  	v25 =	vand.u32 $0xFFFF, v10;
	v0 =	vld.idx.msk [tilespmem:v0+s25+$0x0], $0xffff  }
0xbf: {  	v49 =	vand.u32 $0xFFFF, v14;
	v48 =	vld.idx.msk [tilespmem:v22+s25+$0x0], $0xffff;
	[tilespmem:s2+$0xFFFFFE30] =	vst v13  }
0xc0: {  	v51 =	vand.u32 $0xFFFF, v16;
	v50 =	vld.idx.msk [tilespmem:v23+s25+$0x0], $0xffff;
	[tilespmem:s2+$0xFFFFFE50] =	vst v15  }
0xc1: {  	v52 =	vand.u32 $0xFFFF, v18;
	v24 =	vld.idx.msk [tilespmem:v24+s25+$0x0], $0xffff;
	[tilespmem:s2+$0xFFFFFE70] =	vst v17  }
0xc2: {  	v26 =	vand.u32 $0xFFFF, v11;
	[tilespmem:s2+$0xFFFFFE90] =	vst v19;
	v6 =	vld.idx.msk [tilespmem:v6+s25+$0x0], $0xffff  }
0xc3: {  	v53 =	vld.idx.msk [tilespmem:v25+s25+$0x0], $0xffff;
	[tilespmem:s2+$0x0] =	vst v0;
	v0 =	vand.u32 $0xFFFF, v12  }
0xc4: {  	v20 =	vshra.s32 v20, $0x10;
	v54 =	vld.idx.msk [tilespmem:v49+s25+$0x0], $0xffff;
	[tilespmem:s2+$0xFFFFFED0] =	vst v21  }
0xc5: {  	v1 =	vshra.s32 v1, $0x10;
	v55 =	vld.idx.msk [tilespmem:v51+s25+$0x0], $0xffff;
	[tilespmem:s2+$0xFFFFFEF0] =	vst v48  }
0xc6: {  	v2 =	vshra.s32 v2, $0x10;
	[tilespmem:s2+$0xFFFFFF10] =	vst v50;
	v17 =	vld.idx.msk [tilespmem:v52+s25+$0x0], $0xffff  }
0xc7: {  	v3 =	vshra.s32 v3, $0x10;
	[tilespmem:s2+$0xFFFFFEB0] =	vst v6;
	v6 =	vld.idx.msk [tilespmem:v26+s25+$0x0], $0xffff  }
0xc8: {  	v4 =	vshra.s32 v4, $0x10;
	[tilespmem:s2+$0xFFFFFE10] =	vst v24;
	v0 =	vld.idx.msk [tilespmem:v0+s25+$0x0], $0xffff  }
0xc9: {  	v7 =	vshra.s32 v7, $0x10;
	[tilespmem:s2+$0xFFFFFF30] =	vst v53;
	v20 =	vld.idx.msk [tilespmem:v20+s25+$0x0], $0xffff  }
0xca: {  	v60 =	vshra.s32 v14, $0x10;
	[tilespmem:s2+$0xFFFFFF90] =	vst v54;
	v1 =	vld.idx.msk [tilespmem:v1+s25+$0x0], $0xffff  }
0xcb: {  	v5 =	vshra.s32 v5, $0x10;
	[tilespmem:s2+$0xFFFFFFB0] =	vst v55;
	v2 =	vld.idx.msk [tilespmem:v2+s25+$0x0], $0xffff  }
0xcc: {  	v3 =	vld.idx.msk [tilespmem:v3+s25+$0x0], $0xffff;
	[tilespmem:s2+$0xFFFFFF50] =	vst v6;
	v6 =	vshra.s32 v8, $0x10  }
0xcd: {  	v4 =	vld.idx.msk [tilespmem:v4+s25+$0x0], $0xffff;
	[tilespmem:s2+$0xFFFFFF70] =	vst v0;
	v0 =	vshra.s32 v9, $0x10  }
0xce: {  	v56 =	vshra.s32 v10, $0x10;
	v7 =	vld.idx.msk [tilespmem:v7+s25+$0x0], $0xffff;
	[tilespmem:s2+$0xFFFFFFD0] =	vst v17  }
0xcf: {  	v57 =	vshra.s32 v11, $0x10;
	[tilespmem:s2+$0xFFFFFE40] =	vst v1;
	v1 =	vld.idx.msk [tilespmem:v60+s25+$0x0], $0xffff  }
0xd0: {  	v59 =	vshra.s32 v12, $0x10;
	[tilespmem:s2+$0xFFFFFE20] =	vst v20;
	v58 =	vld.idx.msk [tilespmem:v5+s25+$0x0], $0xffff  }
0xd1: {  	v61 =	vshra.s32 v16, $0x10;
	[tilespmem:s2+$0xFFFFFE60] =	vst v2;
	v6 =	vld.idx.msk [tilespmem:v6+s25+$0x0], $0xffff  }
0xd2: {  	v63 =	vshra.s32 v18, $0x10;
	[tilespmem:s2+$0xFFFFFE80] =	vst v3;
	v62 =	vld.idx.msk [tilespmem:v0+s25+$0x0], $0xffff  }
0xd3: {  	[tilespmem:s2+$0xFFFFFEA0] =	vst v4;
	v5 =	vld.idx.msk [tilespmem:v56+s25+$0x0], $0xffff  }
0xd4: {  	[tilespmem:s2+$0xFFFFFEE0] =	vst v7;
	v4 =	vld.idx.msk [tilespmem:v57+s25+$0x0], $0xffff  }
0xd5: {  	[tilespmem:s2+$0xFFFFFEC0] =	vst v58;
	v0 =	vld.idx.msk [tilespmem:v59+s25+$0x0], $0xffff  }
0xd6: {  	v2 =	vld.idx.msk [tilespmem:v61+s25+$0x0], $0xffff;
	[tilespmem:s2+$0xFFFFFF00] =	vst v6  }
0xd7: {  	s3 =	simm.s32 $0x0;
	s4 =	simm.s32 $0x1600;
	v3 =	vld.idx.msk [tilespmem:v63+s25+$0x0], $0xffff;
	[tilespmem:s2+$0xFFFFFF20] =	vst v62  }
.LBB2_7:
0xd8: {  	v6 =	vld [tilespmem:s4+$0x70];
	s3 =	sadd.s32 $0x100, s3;
	[tilespmem:s2+$0xFFFFFF40] =	vst v5  }
0xd9: {  	v5 =	vld [tilespmem:s4+$0xFFFFFF90];
	p0 =	slt.u32 s3, $0x3B00;
	[tilespmem:s2+$0xFFFFFF60] =	vst v4  }
0xda: {  	v4 =	vld [tilespmem:s4+$0xFFFFFFA0];
	[tilespmem:s2+$0xFFFFFF80] =	vst v0  }
0xdb: {  	v0 =	vld [tilespmem:s4+$0xFFFFFFB0];
	[tilespmem:s2+$0xFFFFFFA0] =	vst v1  }
0xdc: {  	v1 =	vld [tilespmem:s4+$0xFFFFFFC0];
	[tilespmem:s2+$0xFFFFFFC0] =	vst v2  }
0xdd: {  	v2 =	vld [tilespmem:s4+$0xFFFFFFD0];
	v7 =	vand.u32 $0xFFFF, v6;
	[tilespmem:s2+$0xFFFFFFE0] =	vst v3  }
0xde: {  	v3 =	vshra.s32 v5, $0x10;
	v5 =	vand.u32 $0xFFFF, v5;
	v8 =	vld [tilespmem:s4+$0xFFFFFFE0]  }
0xdf: {  	v9 =	vshra.s32 v4, $0x10;
	v4 =	vand.u32 $0xFFFF, v4;
	v10 =	vld [tilespmem:s4+$0xFFFFFFF0]  }
0xe0: {  	v11 =	vshra.s32 v0, $0x10;
	v0 =	vand.u32 $0xFFFF, v0;
	v12 =	vld [tilespmem:s4+$0x0]  }
0xe1: {  	v13 =	vshra.s32 v1, $0x10;
	v1 =	vand.u32 $0xFFFF, v1;
	v14 =	vld [tilespmem:s4+$0x10]  }
0xe2: {  	v15 =	vshra.s32 v2, $0x10;
	v2 =	vand.u32 $0xFFFF, v2;
	v7 =	vld.idx.msk [tilespmem:v7+s25+$0x0], $0xffff  }
0xe3: {  	v16 =	vshra.s32 v8, $0x10;
	v8 =	vand.u32 $0xFFFF, v8;
	v17 =	vld [tilespmem:s4+$0x20]  }
0xe4: {  	v6 =	vshra.s32 v6, $0x10;
	v18 =	vshra.s32 v10, $0x10;
	v10 =	vand.u32 $0xFFFF, v10;
	v19 =	vld [tilespmem:s4+$0x30]  }
0xe5: {  	v20 =	vshra.s32 v12, $0x10;
	v12 =	vand.u32 $0xFFFF, v12;
	v21 =	vld [tilespmem:s4+$0x40]  }
0xe6: {  	v22 =	vshra.s32 v14, $0x10;
	v14 =	vand.u32 $0xFFFF, v14;
	v23 =	vld [tilespmem:s4+$0x50]  }
0xe7: {  	s2 =	sadd.s32 $0x200, s2;
	v24 =	vld [tilespmem:s4+$0x60]  }
0xe8: {  	v25 =	vld [tilespmem:s4+$0xFFFFFF80];
	v26 =	vshra.s32 v17, $0x10;
	v17 =	vand.u32 $0xFFFF, v17;
	[tilespmem:s2+$0xFFFFFFF0] =	vst v7  }
0xe9: {  	v7 =	vshra.s32 v19, $0x10;
	v19 =	vand.u32 $0xFFFF, v19;
	v6 =	vld.idx.msk [tilespmem:v6+s25+$0x0], $0xffff  }
0xea: {  	v5 =	vld.idx.msk [tilespmem:v5+s25+$0x0], $0xffff;
	v27 =	vshra.s32 v21, $0x10;
	v21 =	vand.u32 $0xFFFF, v21  }
0xeb: {  	v4 =	vld.idx.msk [tilespmem:v4+s25+$0x0], $0xffff;
	v28 =	vshra.s32 v23, $0x10;
	v23 =	vand.u32 $0xFFFF, v23  }
0xec: {  	v0 =	vld.idx.msk [tilespmem:v0+s25+$0x0], $0xffff;
	v29 =	vshra.s32 v24, $0x10;
	v24 =	vand.u32 $0xFFFF, v24  }
0xed: {  	v30 =	vshra.s32 v25, $0x10;
	v25 =	vand.u32 $0xFFFF, v25;
	v1 =	vld.idx.msk [tilespmem:v1+s25+$0x0], $0xffff  }
0xee: {  	v2 =	vld.idx.msk [tilespmem:v2+s25+$0x0], $0xffff  }
0xef: {  	v8 =	vld.idx.msk [tilespmem:v8+s25+$0x0], $0xffff;
	[tilespmem:s2+$0x0] =	vst v6  }
0xf0: {  	[tilespmem:s2+$0xFFFFFE30] =	vst v5;
	v5 =	vld.idx.msk [tilespmem:v10+s25+$0x0], $0xffff  }
0xf1: {  	[tilespmem:s2+$0xFFFFFE50] =	vst v4;
	v4 =	vld.idx.msk [tilespmem:v12+s25+$0x0], $0xffff  }
0xf2: {  	v6 =	vld.idx.msk [tilespmem:v25+s25+$0x0], $0xffff;
	[tilespmem:s2+$0xFFFFFE70] =	vst v0  }
0xf3: {  	[tilespmem:s2+$0xFFFFFE90] =	vst v1;
	v0 =	vld.idx.msk [tilespmem:v14+s25+$0x0], $0xffff  }
0xf4: {  	[tilespmem:s2+$0xFFFFFEB0] =	vst v2;
	v1 =	vld.idx.msk [tilespmem:v17+s25+$0x0], $0xffff  }
0xf5: {  	[tilespmem:s2+$0xFFFFFED0] =	vst v8;
	v2 =	vld.idx.msk [tilespmem:v19+s25+$0x0], $0xffff  }
0xf6: {  	[tilespmem:s2+$0xFFFFFEF0] =	vst v5;
	v5 =	vld.idx.msk [tilespmem:v21+s25+$0x0], $0xffff  }
0xf7: {  	[tilespmem:s2+$0xFFFFFF10] =	vst v4;
	v4 =	vld.idx.msk [tilespmem:v23+s25+$0x0], $0xffff  }
0xf8: {  	[tilespmem:s2+$0xFFFFFE10] =	vst v6;
	v6 =	vld.idx.msk [tilespmem:v24+s25+$0x0], $0xffff  }
0xf9: {  	v8 =	vld.idx.msk [tilespmem:v30+s25+$0x0], $0xffff;
	[tilespmem:s2+$0xFFFFFF30] =	vst v0  }
0xfa: {  	v0 =	vld.idx.msk [tilespmem:v3+s25+$0x0], $0xffff;
	[tilespmem:s2+$0xFFFFFF50] =	vst v1  }
0xfb: {  	v1 =	vld.idx.msk [tilespmem:v9+s25+$0x0], $0xffff;
	[tilespmem:s2+$0xFFFFFF70] =	vst v2  }
0xfc: {  	v2 =	vld.idx.msk [tilespmem:v11+s25+$0x0], $0xffff;
	[tilespmem:s2+$0xFFFFFF90] =	vst v5  }
0xfd: {  	v3 =	vld.idx.msk [tilespmem:v13+s25+$0x0], $0xffff;
	[tilespmem:s2+$0xFFFFFFB0] =	vst v4  }
0xfe: {  	v9 =	vld.idx.msk [tilespmem:v15+s25+$0x0], $0xffff;
	[tilespmem:s2+$0xFFFFFFD0] =	vst v6  }
0xff: {  	[tilespmem:s2+$0xFFFFFE20] =	vst v8;
	v6 =	vld.idx.msk [tilespmem:v16+s25+$0x0], $0xffff  }
0x100: {  	[tilespmem:s2+$0xFFFFFE40] =	vst v0;
	v8 =	vld.idx.msk [tilespmem:v18+s25+$0x0], $0xffff  }
0x101: {  	[tilespmem:s2+$0xFFFFFE60] =	vst v1;
	v10 =	vld.idx.msk [tilespmem:v20+s25+$0x0], $0xffff  }
0x102: {  	[tilespmem:s2+$0xFFFFFE80] =	vst v2;
	v5 =	vld.idx.msk [tilespmem:v22+s25+$0x0], $0xffff  }
.Ltmp2:
0x103: {  	[tilespmem:s2+$0xFFFFFEA0] =	vst v3;
	v4 =	vld.idx.msk [tilespmem:v26+s25+$0x0], $0xffff;
	(pc) =	sbr.rel @p0 .LBB2_7-.Ltmp2, $4  }
0x104: {  	[tilespmem:s2+$0xFFFFFEC0] =	vst v9;
	v0 =	vld.idx.msk [tilespmem:v7+s25+$0x0], $0xffff  }
0x105: {  	[tilespmem:s2+$0xFFFFFEE0] =	vst v6;
	v1 =	vld.idx.msk [tilespmem:v27+s25+$0x0], $0xffff  }
0x106: {  	[tilespmem:s2+$0xFFFFFF00] =	vst v8;
	v2 =	vld.idx.msk [tilespmem:v28+s25+$0x0], $0xffff  }
0x107: {  	s4 =	sadd.s32 $0x100, s4;
	[tilespmem:s2+$0xFFFFFF20] =	vst v10;
	v3 =	vld.idx.msk [tilespmem:v29+s25+$0x0], $0xffff  }
0x108: {  	[tilespmem:s2+$0xFFFFFF40] =	vst v5;
	s0 =	sshrl.u32 s0, $0x3  }
0x109: {  	[tilespmem:s2+$0xFFFFFF60] =	vst v4;
	s3 =	sshll.u32 s30, $0x7;
	p0 =	sne.s32 s31, $0x40;
	s0 =	smul.u32 $0x50400, s0  }
.Ltmp3:
0x10a: {  	[tilespmem:s2+$0xFFFFFF80] =	vst v0;
	s3 =	sand.u32 $0x380, s3;
	(pc) =	sbr.rel @p0 .LBB2_2-.Ltmp3, $4  }
0x10b: {  	[tilespmem:s2+$0xFFFFFFA0] =	vst v1;
	s0 =	sor.u32 s3, s0  }
0x10c: {  	[tilespmem:s2+$0xFFFFFFC0] =	vst v2;
	s0 =	sshrl.u32 s0, $0x3  }
0x10d: {  	s30 =	smov.u32 s31;
	[tilespmem:s2+$0xFFFFFFE0] =	vst v3;
	s0 =	sadd.s32 s9, s0  }
0x10e: {  	[hbm4b:s0+s16] =	stream.strided.scatter [tilespmem:s26], [sflag:$0x3], $0xA080, s19, s16, $0x38;
	[tilespmem:$0x19300] =	vst v63  }
0x10f: {  	_ =	swait.ge [sflag:s28], $0xA080  }
0x110: {  	[sflag:s28] =	ssyncset.done $0x0  }
0x111: {  	[sflag:s28] =	ssyncadd.s32 $0xFFFF5F80  }
0x112: {  	_ =	swait.ge [sflag:s24], $0x2880  }
0x113: {  	[sflag:s24] =	ssyncset.done $0x0  }
0x114: {  	s29 =	sadd.s32 $0x1, s29;
	[sflag:s24] =	ssyncadd.s32 $0xFFFFD780  }
0x115: {  	p0 =	sne.s32 s29, s14;
	_ =	swait.ge [sflag:s23], $0x2880  }
.Ltmp4:
0x116: {  	[sflag:s23] =	ssyncset.done $0x0;
	(pc) =	sbr.rel @p0 .LBB2_1-.Ltmp4, $4  }
0x117: {  	[sflag:s23] =	ssyncadd.s32 $0xFFFFD780  }
0x118: {  	_ =	swait.ge [sflag:s23], $0x2880  }
0x119: {  	[sflag:s23] =	ssyncset.done $0x0  }
0x11a: {  	[sflag:s23] =	ssyncadd.s32 $0xFFFFD780  }
0x11b: {  	_ =	sfence.sel $0x180000  }
0x11c: {  	[bflag:$0x0] =	sbarrier.arrive $0xFFFF  }
0x11d: {  	_ =	strace $0x90000047  }
0x11e: {  	s0 =	stileid.u32;
	[bflag:$0x2] =	sbarrier.arrive $0xFFFF  }
0x11f: {  	p0 =	sne.s32 s0, $0x0;
	s0 =	rddreg [dreg:$0x4]  }
0x120: {  	s0 =	sadd.s32 @!p0 $0x100000, s0  }
0x121: {  	[sflag:s0] =	ssyncadd.tile.s32 @!p0 $0x1;
	_ =	shalt  }
.Lfunc_end2:
_tile_overlayer_lowered:
.L_overlay_start_2:
0x122: {  	(tag) =	ssettag $0x2  }
0x123: {  	s0 =	rddreg [dreg:$0x0];
	s2 =	stileid.u32  }
0x124: {  	s1 =	rddreg [dreg:$0x1];
	p0 =	sne.s32 s2, $0x0  }
0x125: {  	s3 =	rddreg [dreg:$0x2];
	[bflag:$0x3] =	sbarrier.arrive $0xFFFF;
	s2 =	simm.s32 @!p0 $0x1C04  }
0x126: {  	[timem:s3], [sflag:s2] =	dma.local @!p0 [hbm:s0], s1  }
0x127: {  	s0 =	simm.s32 @!p0 $0x4  }
0x128: {  	_ =	swait.ge @!p0 [sflag:s0], s1  }
0x129: {  	s1 =	ssub.s32 @!p0 $0x0, s1;
	[sflag:s0] =	ssyncset.done @!p0 $0x0  }
0x12a: {  	[sflag:s0] =	ssyncadd.s32 @!p0 s1  }
0x12b: {  	[bflag:$0x3] =	sbarrier.arrive $0xFFFF  }
0x12c: {  	_ =	shalt  }

</sc_bundles>
